<compile_context>
chip_gen: v7x
topology: tpu7x:2x2x1
jax: 0.10.2.dev20260603
libtpu: 0.0.44.dev20260713+nightly
codegen_flags: <defaults>
</compile_context>

<pallas_src>
import jax
import jax.numpy as jnp
from jax import lax
from jax.experimental import pallas as pl
from jax.experimental.pallas import tpu as pltpu
from jax.experimental.pallas import tpu_sc as plsc

N_ENT = 1000000
BATCH = 16384
D = 64
NC, NS, L = 2, 16, 16
NW = NC * NS
BPW = BATCH // NW
CH = 128
NCH = BPW // CH
NBUF = 2
NB = 4096
GRID1 = 123
SPLIT = (GRID1 - 1) * NB
OUT_ROWS = GRID1 * NB



def _mod_body(reL, imL, reR, imR, out):
    eye = jnp.eye(D, dtype=jnp.float32)
    dn = (((0,), (0,)), ((), ()))
    mL = jnp.sqrt(reL[...] * reL[...] + imL[...] * imL[...])
    mR = jnp.sqrt(reR[...] * reR[...] + imR[...] * imR[...])
    out[:, 0:D] = lax.dot_general(mL, eye, dn,
                                  preferred_element_type=jnp.float32)
    out[:, D:2 * D] = lax.dot_general(mR, eye, dn,
                                      preferred_element_type=jnp.float32)


def _mod_table(re_t, im_t):
    return pl.pallas_call(
        _mod_body,
        grid=(GRID1,),
        in_specs=[
            pl.BlockSpec((D, NB), lambda i: (0, i)),
            pl.BlockSpec((D, NB), lambda i: (0, i)),
            pl.BlockSpec((D, NB), lambda i: (0, i + GRID1 - 1)),
            pl.BlockSpec((D, NB), lambda i: (0, i + GRID1 - 1)),
        ],
        out_specs=pl.BlockSpec((NB, 2 * D), lambda i: (i, 0)),
        out_shape=jax.ShapeDtypeStruct((OUT_ROWS, 2 * D), jnp.float32),
    )(re_t, im_t, re_t, im_t)



def _score_body(u_hbm, v_hbm, mod_hbm, out_hbm,
                uraw, vraw, pu, pv, cu, cv, gu, gv, outb, sems):
    wid = lax.axis_index("s") * NC + lax.axis_index("c")
    base = wid * BPW

    def stage_idx(raw, p, c):
        for j in range(CH // L):
            r = raw[pl.ds(j * L, L)]
            hi = r >= SPLIT
            p[pl.ds(j * L, L)] = jnp.where(hi, r - SPLIT, r)
            c[pl.ds(j * L, L)] = jnp.where(hi, D, 0)

    def fire(ch, slot):
        off = base + ch * CH
        pltpu.sync_copy(u_hbm.at[pl.ds(off, CH)], uraw[slot])
        pltpu.sync_copy(v_hbm.at[pl.ds(off, CH)], vraw[slot])
        stage_idx(uraw[slot], pu[slot], cu[slot])
        stage_idx(vraw[slot], pv[slot], cv[slot])
        return [
            pltpu.async_copy(mod_hbm.at[pu[slot]], gu[slot], sems[slot]),
            pltpu.async_copy(mod_hbm.at[pv[slot]], gv[slot], sems[slot]),
        ]

    def compute(ch, slot):
        def group(g, _):
            rows = lax.iota(jnp.int32, L) + g * L
            cub = cu[slot][pl.ds(g * L, L)]
            cvb = cv[slot][pl.ds(g * L, L)]

            def dbody(d, acc):
                mu = plsc.load_gather(gu[slot], [rows, cub + d])
                mv = plsc.load_gather(gv[slot], [rows, cvb + d])
                return acc + mu * mv

            acc = lax.fori_loop(0, D, dbody, jnp.zeros((L,), jnp.float32))
            e = jnp.exp(-acc)
            outb[pl.ds(ch * CH + g * L, L)] = e / (1.0 + e)
            return 0

        lax.fori_loop(0, CH // L, group, 0)

    handles = [None] * NBUF
    handles[0] = fire(0, 0)
    for ch in range(NCH):
        slot = ch % NBUF
        nxt = ch + 1
        if nxt < NCH:
            handles[nxt % NBUF] = fire(nxt, nxt % NBUF)
        for h in handles[slot]:
            h.wait()
        compute(ch, slot)

    pltpu.sync_copy(outb, out_hbm.at[pl.ds(base, BPW)])


def _score(u, v, mod):
    mesh = plsc.VectorSubcoreMesh(core_axis_name="c", subcore_axis_name="s")
    run = pl.kernel(
        _score_body,
        out_type=jax.ShapeDtypeStruct((BATCH,), jnp.float32),
        mesh=mesh,
        scratch_types=dict(
            uraw=[pltpu.VMEM((CH,), jnp.int32) for _ in range(NBUF)],
            vraw=[pltpu.VMEM((CH,), jnp.int32) for _ in range(NBUF)],
            pu=[pltpu.VMEM((CH,), jnp.int32) for _ in range(NBUF)],
            pv=[pltpu.VMEM((CH,), jnp.int32) for _ in range(NBUF)],
            cu=[pltpu.VMEM((CH,), jnp.int32) for _ in range(NBUF)],
            cv=[pltpu.VMEM((CH,), jnp.int32) for _ in range(NBUF)],
            gu=[pltpu.VMEM((CH, 2 * D), jnp.float32) for _ in range(NBUF)],
            gv=[pltpu.VMEM((CH, 2 * D), jnp.float32) for _ in range(NBUF)],
            outb=pltpu.VMEM((BPW,), jnp.float32),
            sems=[pltpu.SemaphoreType.DMA for _ in range(NBUF)],
        ),
        compiler_params=pltpu.CompilerParams(needs_layout_passes=False),
    )
    return run(u, v, mod)


@jax.jit
def _rotate_score(u, v, emb_re, emb_im):
    mod = _mod_table(emb_re.T, emb_im.T)
    return _score(u, v, mod)


def kernel(u, v, emb_re, emb_im):
    return _rotate_score(u.astype(jnp.int32), v.astype(jnp.int32),
                         emb_re, emb_im)

# --- scband reference (transcript-rebuilt; emitter-appended) ---
"""Pipeline reference for scband-rotat-emodel-17119739642388 (READ-ONLY COPY).

The authoritative reference and input builder live on the scoring server;
editing this copy changes nothing except your own understanding.
"""

import jax, jax.numpy as jnp
import numpy as np

N_ENTITIES = 1000000
EMB_DIM = 64
BATCH = 16384

def setup_inputs(seed: int = 0) -> dict:
    key = jax.random.key(seed)
    k_u, k_v, k_re, k_im = jax.random.split(key, 4)
    u = jax.random.randint(k_u, (BATCH,), 0, N_ENTITIES, dtype=jnp.int64 if jax.config.jax_enable_x64 else jnp.int32)
    v = jax.random.randint(k_v, (BATCH,), 0, N_ENTITIES, dtype=jnp.int64 if jax.config.jax_enable_x64 else jnp.int32)
    emb_re = jax.random.uniform(k_re, (N_ENTITIES, EMB_DIM), dtype=jnp.float32, minval=-0.1, maxval=0.1)
    emb_im = jax.random.uniform(k_im, (N_ENTITIES, EMB_DIM), dtype=jnp.float32, minval=-0.1, maxval=0.1)
    return {"u": u, "v": v, "emb_re": emb_re, "emb_im": emb_im}

def reference(u, v, emb_re, emb_im):
    # embedding gathers (SparseCore-mappable)
    re_u = jnp.take(emb_re, u, axis=0)
    im_u = jnp.take(emb_im, u, axis=0)
    re_v = jnp.take(emb_re, v, axis=0)
    im_v = jnp.take(emb_im, v, axis=0)
    # complex rotation product (RotatE-style score)
    re = re_u * re_v - im_u * im_v
    im = re_u * im_v + im_u * re_v
    norm = jnp.sqrt(re ** 2 + im ** 2).sum(axis=-1)
    score = -norm
    return jax.nn.sigmoid(score)

if __name__ == "__main__":
    import jax
    _d = setup_inputs()
    print(jax.jit(kernel)(*tuple(_d.values())))

</pallas_src>

<mosaic_0001>
#map = affine_map<(d0, d1) -> (0)>
#map1 = affine_map<(d0, d1) -> (0, 0)>
module attributes {stable_mosaic.version = 14 : i64} {
  func.func @_score_body(%arg0: i32, %arg1: i32, %arg2: memref<16384xi32, #tpu.memory_space<hbm>>, %arg3: memref<16384xi32, #tpu.memory_space<hbm>>, %arg4: memref<503808x128xf32, #tpu.memory_space<hbm>>, %arg5: memref<16384xf32, #tpu.memory_space<hbm>>, %arg6: memref<128xi32, #tpu.memory_space<vmem>>, %arg7: memref<128xi32, #tpu.memory_space<vmem>>, %arg8: memref<128xi32, #tpu.memory_space<vmem>>, %arg9: memref<128xi32, #tpu.memory_space<vmem>>, %arg10: memref<128x128xf32, #tpu.memory_space<vmem>>, %arg11: memref<128x128xf32, #tpu.memory_space<vmem>>, %arg12: memref<128x128xf32, #tpu.memory_space<vmem>>, %arg13: memref<128x128xf32, #tpu.memory_space<vmem>>, %arg14: memref<512xf32, #tpu.memory_space<vmem>>, %arg15: memref<128xi32, #tpu.memory_space<vmem>>, %arg16: memref<128xi32, #tpu.memory_space<vmem>>, %arg17: memref<128xi32, #tpu.memory_space<vmem>>, %arg18: memref<128xi32, #tpu.memory_space<vmem>>, %arg19: memref<!tpu.dma_semaphore, #tpu.memory_space<semaphore_mem>>, %arg20: memref<!tpu.dma_semaphore, #tpu.memory_space<semaphore_mem>>, %arg21: memref<128xi32, #tpu.memory_space<vmem>>, %arg22: memref<128xi32, #tpu.memory_space<vmem>>, %arg23: memref<128xi32, #tpu.memory_space<vmem>>, %arg24: memref<128xi32, #tpu.memory_space<vmem>>) attributes {dimension_semantics = [#tpu.dimension_semantics<core_parallel>, #tpu.dimension_semantics<subcore_parallel>], iteration_bounds = array<i64: 2, 16>, scalar_prefetch = 0 : i64, scratch_operands = 19 : i64, tpu.core_type = #tpu.core_type<sc_vector_subcore>, window_params = [{transform_indices = #map}, {transform_indices = #map}, {transform_indices = #map1}, {transform_indices = #map}]} {
    %mul3A = arith.constant 2 : i32
    %mul3A_0 = arith.muli %arg1, %mul3A : i32
    %add3A = arith.addi %mul3A_0, %arg0 : i32
    %mul3A_1 = arith.constant 512 : i32
    %mul3A_2 = arith.muli %add3A, %mul3A_1 : i32
    %add3A_3 = arith.constant 0 : i32
    %add3A_4 = arith.addi %mul3A_2, %add3A_3 : i32
    "tpu.region"() ({
      %run_scoped3A = tpu.sem_alloc : memref<!tpu.dma_semaphore, #tpu.memory_space<semaphore_mem>>
      %dma_start3A_1229 = tpu.memref_slice %arg2[%add3A_4] : memref<16384xi32, #tpu.memory_space<hbm>> -> memref<128xi32, #tpu.memory_space<hbm>>
      %dma_start3A_1230 = tpu.memref_slice %arg2[%add3A_4] : memref<16384xi32, #tpu.memory_space<hbm>> -> memref<128xi32, #tpu.memory_space<hbm>>
      tpu.enqueue_dma source(%dma_start3A_1230 : memref<128xi32, #tpu.memory_space<hbm>>) target(%arg21 : memref<128xi32, #tpu.memory_space<vmem>>) target_semaphore(%run_scoped3A : memref<!tpu.dma_semaphore, #tpu.memory_space<semaphore_mem>>)
      %dma_wait3A_1231 = tpu.memref_slice %arg2[%add3A_4] : memref<16384xi32, #tpu.memory_space<hbm>> -> memref<128xi32, #tpu.memory_space<hbm>>
      %dma_wait3A_1232 = tpu.memref_slice %arg2[%add3A_4] : memref<16384xi32, #tpu.memory_space<hbm>> -> memref<128xi32, #tpu.memory_space<hbm>>
      tpu.wait_dma2 semaphore(%run_scoped3A : memref<!tpu.dma_semaphore, #tpu.memory_space<semaphore_mem>>) src(%dma_wait3A_1232 : memref<128xi32, #tpu.memory_space<hbm>>) dst(%arg21 : memref<128xi32, #tpu.memory_space<vmem>>)
      tpu.yield
    }) : () -> ()
    "tpu.region"() ({
      %run_scoped3A = tpu.sem_alloc : memref<!tpu.dma_semaphore, #tpu.memory_space<semaphore_mem>>
      %dma_start3A_1229 = tpu.memref_slice %arg3[%add3A_4] : memref<16384xi32, #tpu.memory_space<hbm>> -> memref<128xi32, #tpu.memory_space<hbm>>
      %dma_start3A_1230 = tpu.memref_slice %arg3[%add3A_4] : memref<16384xi32, #tpu.memory_space<hbm>> -> memref<128xi32, #tpu.memory_space<hbm>>
      tpu.enqueue_dma source(%dma_start3A_1230 : memref<128xi32, #tpu.memory_space<hbm>>) target(%arg23 : memref<128xi32, #tpu.memory_space<vmem>>) target_semaphore(%run_scoped3A : memref<!tpu.dma_semaphore, #tpu.memory_space<semaphore_mem>>)
      %dma_wait3A_1231 = tpu.memref_slice %arg3[%add3A_4] : memref<16384xi32, #tpu.memory_space<hbm>> -> memref<128xi32, #tpu.memory_space<hbm>>
      %dma_wait3A_1232 = tpu.memref_slice %arg3[%add3A_4] : memref<16384xi32, #tpu.memory_space<hbm>> -> memref<128xi32, #tpu.memory_space<hbm>>
      tpu.wait_dma2 semaphore(%run_scoped3A : memref<!tpu.dma_semaphore, #tpu.memory_space<semaphore_mem>>) src(%dma_wait3A_1232 : memref<128xi32, #tpu.memory_space<hbm>>) dst(%arg23 : memref<128xi32, #tpu.memory_space<vmem>>)
      tpu.yield
    }) : () -> ()
    %get3A = arith.constant 0 : index
    %get3A_5 = tpu.vector_load %arg21[%get3A] {strides = array<i32>} : memref<128xi32, #tpu.memory_space<vmem>>, vector<16xi32>,
    %ge3A = arith.constant 499712 : i32
    %ge3A_6 = vector.broadcast %ge3A : i32 to vector<16xi32>
    %ge3A_7 = arith.cmpi sge, %get3A_5, %ge3A_6 : vector<16xi32>
    %sub3A = arith.constant 499712 : i32
    %sub3A_8 = vector.broadcast %sub3A : i32 to vector<16xi32>
    %sub3A_9 = arith.subi %get3A_5, %sub3A_8 : vector<16xi32>
    %select_n3A = arith.select %ge3A_7, %sub3A_9, %get3A_5 : vector<16xi1>, vector<16xi32>
    %swap3A = arith.constant 0 : index
    %swap3A_10 = tpu.vector_load %arg15[%swap3A] {strides = array<i32>} : memref<128xi32, #tpu.memory_space<vmem>>, vector<16xi32>,
    tpu.vector_store %arg15[%swap3A], %select_n3A {strides = array<i32>} : memref<128xi32, #tpu.memory_space<vmem>>, vector<16xi32>,
    %jit3A = arith.constant 64 : i32
    %jit3A_11 = arith.constant 0 : i32
    %broadcast_in_dim3A = vector.broadcast %jit3A : i32 to vector<16xi32>
    %broadcast_in_dim3A_12 = vector.broadcast %jit3A_11 : i32 to vector<16xi32>
    %select_n3A_13 = arith.select %ge3A_7, %broadcast_in_dim3A, %broadcast_in_dim3A_12 : vector<16xi1>, vector<16xi32>
    %swap3A_14 = arith.constant 0 : index
    %swap3A_15 = tpu.vector_load %arg6[%swap3A_14] {strides = array<i32>} : memref<128xi32, #tpu.memory_space<vmem>>, vector<16xi32>,
    tpu.vector_store %arg6[%swap3A_14], %select_n3A_13 {strides = array<i32>} : memref<128xi32, #tpu.memory_space<vmem>>, vector<16xi32>,
    %get3A_16 = arith.constant 16 : index
    %get3A_17 = tpu.vector_load %arg21[%get3A_16] {strides = array<i32>} : memref<128xi32, #tpu.memory_space<vmem>>, vector<16xi32>,
    %ge3A_18 = arith.constant 499712 : i32
    %ge3A_19 = vector.broadcast %ge3A_18 : i32 to vector<16xi32>
    %ge3A_20 = arith.cmpi sge, %get3A_17, %ge3A_19 : vector<16xi32>
    %sub3A_21 = arith.constant 499712 : i32
    %sub3A_22 = vector.broadcast %sub3A_21 : i32 to vector<16xi32>
    %sub3A_23 = arith.subi %get3A_17, %sub3A_22 : vector<16xi32>
    %select_n3A_24 = arith.select %ge3A_20, %sub3A_23, %get3A_17 : vector<16xi1>, vector<16xi32>
    %swap3A_25 = arith.constant 16 : index
    %swap3A_26 = tpu.vector_load %arg15[%swap3A_25] {strides = array<i32>} : memref<128xi32, #tpu.memory_space<vmem>>, vector<16xi32>,
    tpu.vector_store %arg15[%swap3A_25], %select_n3A_24 {strides = array<i32>} : memref<128xi32, #tpu.memory_space<vmem>>, vector<16xi32>,
    %jit3A_27 = arith.constant 64 : i32
    %jit3A_28 = arith.constant 0 : i32
    %broadcast_in_dim3A_29 = vector.broadcast %jit3A_27 : i32 to vector<16xi32>
    %broadcast_in_dim3A_30 = vector.broadcast %jit3A_28 : i32 to vector<16xi32>
    %select_n3A_31 = arith.select %ge3A_20, %broadcast_in_dim3A_29, %broadcast_in_dim3A_30 : vector<16xi1>, vector<16xi32>
    %swap3A_32 = arith.constant 16 : index
    %swap3A_33 = tpu.vector_load %arg6[%swap3A_32] {strides = array<i32>} : memref<128xi32, #tpu.memory_space<vmem>>, vector<16xi32>,
    tpu.vector_store %arg6[%swap3A_32], %select_n3A_31 {strides = array<i32>} : memref<128xi32, #tpu.memory_space<vmem>>, vector<16xi32>,
    %get3A_34 = arith.constant 32 : index
    %get3A_35 = tpu.vector_load %arg21[%get3A_34] {strides = array<i32>} : memref<128xi32, #tpu.memory_space<vmem>>, vector<16xi32>,
    %ge3A_36 = arith.constant 499712 : i32
    %ge3A_37 = vector.broadcast %ge3A_36 : i32 to vector<16xi32>
    %ge3A_38 = arith.cmpi sge, %get3A_35, %ge3A_37 : vector<16xi32>
    %sub3A_39 = arith.constant 499712 : i32
    %sub3A_40 = vector.broadcast %sub3A_39 : i32 to vector<16xi32>
    %sub3A_41 = arith.subi %get3A_35, %sub3A_40 : vector<16xi32>
    %select_n3A_42 = arith.select %ge3A_38, %sub3A_41, %get3A_35 : vector<16xi1>, vector<16xi32>
    %swap3A_43 = arith.constant 32 : index
    %swap3A_44 = tpu.vector_load %arg15[%swap3A_43] {strides = array<i32>} : memref<128xi32, #tpu.memory_space<vmem>>, vector<16xi32>,
    tpu.vector_store %arg15[%swap3A_43], %select_n3A_42 {strides = array<i32>} : memref<128xi32, #tpu.memory_space<vmem>>, vector<16xi32>,
    %jit3A_45 = arith.constant 64 : i32
    %jit3A_46 = arith.constant 0 : i32
    %broadcast_in_dim3A_47 = vector.broadcast %jit3A_45 : i32 to vector<16xi32>
    %broadcast_in_dim3A_48 = vector.broadcast %jit3A_46 : i32 to vector<16xi32>
    %select_n3A_49 = arith.select %ge3A_38, %broadcast_in_dim3A_47, %broadcast_in_dim3A_48 : vector<16xi1>, vector<16xi32>
    %swap3A_50 = arith.constant 32 : index
    %swap3A_51 = tpu.vector_load %arg6[%swap3A_50] {strides = array<i32>} : memref<128xi32, #tpu.memory_space<vmem>>, vector<16xi32>,
    tpu.vector_store %arg6[%swap3A_50], %select_n3A_49 {strides = array<i32>} : memref<128xi32, #tpu.memory_space<vmem>>, vector<16xi32>,
    %get3A_52 = arith.constant 48 : index
    %get3A_53 = tpu.vector_load %arg21[%get3A_52] {strides = array<i32>} : memref<128xi32, #tpu.memory_space<vmem>>, vector<16xi32>,
    %ge3A_54 = arith.constant 499712 : i32
    %ge3A_55 = vector.broadcast %ge3A_54 : i32 to vector<16xi32>
    %ge3A_56 = arith.cmpi sge, %get3A_53, %ge3A_55 : vector<16xi32>
    %sub3A_57 = arith.constant 499712 : i32
    %sub3A_58 = vector.broadcast %sub3A_57 : i32 to vector<16xi32>
    %sub3A_59 = arith.subi %get3A_53, %sub3A_58 : vector<16xi32>
    %select_n3A_60 = arith.select %ge3A_56, %sub3A_59, %get3A_53 : vector<16xi1>, vector<16xi32>
    %swap3A_61 = arith.constant 48 : index
    %swap3A_62 = tpu.vector_load %arg15[%swap3A_61] {strides = array<i32>} : memref<128xi32, #tpu.memory_space<vmem>>, vector<16xi32>,
    tpu.vector_store %arg15[%swap3A_61], %select_n3A_60 {strides = array<i32>} : memref<128xi32, #tpu.memory_space<vmem>>, vector<16xi32>,
    %jit3A_63 = arith.constant 64 : i32
    %jit3A_64 = arith.constant 0 : i32
    %broadcast_in_dim3A_65 = vector.broadcast %jit3A_63 : i32 to vector<16xi32>
    %broadcast_in_dim3A_66 = vector.broadcast %jit3A_64 : i32 to vector<16xi32>
    %select_n3A_67 = arith.select %ge3A_56, %broadcast_in_dim3A_65, %broadcast_in_dim3A_66 : vector<16xi1>, vector<16xi32>
    %swap3A_68 = arith.constant 48 : index
    %swap3A_69 = tpu.vector_load %arg6[%swap3A_68] {strides = array<i32>} : memref<128xi32, #tpu.memory_space<vmem>>, vector<16xi32>,
    tpu.vector_store %arg6[%swap3A_68], %select_n3A_67 {strides = array<i32>} : memref<128xi32, #tpu.memory_space<vmem>>, vector<16xi32>,
    %get3A_70 = arith.constant 64 : index
    %get3A_71 = tpu.vector_load %arg21[%get3A_70] {strides = array<i32>} : memref<128xi32, #tpu.memory_space<vmem>>, vector<16xi32>,
    %ge3A_72 = arith.constant 499712 : i32
    %ge3A_73 = vector.broadcast %ge3A_72 : i32 to vector<16xi32>
    %ge3A_74 = arith.cmpi sge, %get3A_71, %ge3A_73 : vector<16xi32>
    %sub3A_75 = arith.constant 499712 : i32
    %sub3A_76 = vector.broadcast %sub3A_75 : i32 to vector<16xi32>
    %sub3A_77 = arith.subi %get3A_71, %sub3A_76 : vector<16xi32>
    %select_n3A_78 = arith.select %ge3A_74, %sub3A_77, %get3A_71 : vector<16xi1>, vector<16xi32>
    %swap3A_79 = arith.constant 64 : index
    %swap3A_80 = tpu.vector_load %arg15[%swap3A_79] {strides = array<i32>} : memref<128xi32, #tpu.memory_space<vmem>>, vector<16xi32>,
    tpu.vector_store %arg15[%swap3A_79], %select_n3A_78 {strides = array<i32>} : memref<128xi32, #tpu.memory_space<vmem>>, vector<16xi32>,
    %jit3A_81 = arith.constant 64 : i32
    %jit3A_82 = arith.constant 0 : i32
    %broadcast_in_dim3A_83 = vector.broadcast %jit3A_81 : i32 to vector<16xi32>
    %broadcast_in_dim3A_84 = vector.broadcast %jit3A_82 : i32 to vector<16xi32>
    %select_n3A_85 = arith.select %ge3A_74, %broadcast_in_dim3A_83, %broadcast_in_dim3A_84 : vector<16xi1>, vector<16xi32>
    %swap3A_86 = arith.constant 64 : index
    %swap3A_87 = tpu.vector_load %arg6[%swap3A_86] {strides = array<i32>} : memref<128xi32, #tpu.memory_space<vmem>>, vector<16xi32>,
    tpu.vector_store %arg6[%swap3A_86], %select_n3A_85 {strides = array<i32>} : memref<128xi32, #tpu.memory_space<vmem>>, vector<16xi32>,
    %get3A_88 = arith.constant 80 : index
    %get3A_89 = tpu.vector_load %arg21[%get3A_88] {strides = array<i32>} : memref<128xi32, #tpu.memory_space<vmem>>, vector<16xi32>,
    %ge3A_90 = arith.constant 499712 : i32
    %ge3A_91 = vector.broadcast %ge3A_90 : i32 to vector<16xi32>
    %ge3A_92 = arith.cmpi sge, %get3A_89, %ge3A_91 : vector<16xi32>
    %sub3A_93 = arith.constant 499712 : i32
    %sub3A_94 = vector.broadcast %sub3A_93 : i32 to vector<16xi32>
    %sub3A_95 = arith.subi %get3A_89, %sub3A_94 : vector<16xi32>
    %select_n3A_96 = arith.select %ge3A_92, %sub3A_95, %get3A_89 : vector<16xi1>, vector<16xi32>
    %swap3A_97 = arith.constant 80 : index
    %swap3A_98 = tpu.vector_load %arg15[%swap3A_97] {strides = array<i32>} : memref<128xi32, #tpu.memory_space<vmem>>, vector<16xi32>,
    tpu.vector_store %arg15[%swap3A_97], %select_n3A_96 {strides = array<i32>} : memref<128xi32, #tpu.memory_space<vmem>>, vector<16xi32>,
    %jit3A_99 = arith.constant 64 : i32
    %jit3A_100 = arith.constant 0 : i32
    %broadcast_in_dim3A_101 = vector.broadcast %jit3A_99 : i32 to vector<16xi32>
    %broadcast_in_dim3A_102 = vector.broadcast %jit3A_100 : i32 to vector<16xi32>
    %select_n3A_103 = arith.select %ge3A_92, %broadcast_in_dim3A_101, %broadcast_in_dim3A_102 : vector<16xi1>, vector<16xi32>
    %swap3A_104 = arith.constant 80 : index
    %swap3A_105 = tpu.vector_load %arg6[%swap3A_104] {strides = array<i32>} : memref<128xi32, #tpu.memory_space<vmem>>, vector<16xi32>,
    tpu.vector_store %arg6[%swap3A_104], %select_n3A_103 {strides = array<i32>} : memref<128xi32, #tpu.memory_space<vmem>>, vector<16xi32>,
    %get3A_106 = arith.constant 96 : index
    %get3A_107 = tpu.vector_load %arg21[%get3A_106] {strides = array<i32>} : memref<128xi32, #tpu.memory_space<vmem>>, vector<16xi32>,
    %ge3A_108 = arith.constant 499712 : i32
    %ge3A_109 = vector.broadcast %ge3A_108 : i32 to vector<16xi32>
    %ge3A_110 = arith.cmpi sge, %get3A_107, %ge3A_109 : vector<16xi32>
    %sub3A_111 = arith.constant 499712 : i32
    %sub3A_112 = vector.broadcast %sub3A_111 : i32 to vector<16xi32>
    %sub3A_113 = arith.subi %get3A_107, %sub3A_112 : vector<16xi32>
    %select_n3A_114 = arith.select %ge3A_110, %sub3A_113, %get3A_107 : vector<16xi1>, vector<16xi32>
    %swap3A_115 = arith.constant 96 : index
    %swap3A_116 = tpu.vector_load %arg15[%swap3A_115] {strides = array<i32>} : memref<128xi32, #tpu.memory_space<vmem>>, vector<16xi32>,
    tpu.vector_store %arg15[%swap3A_115], %select_n3A_114 {strides = array<i32>} : memref<128xi32, #tpu.memory_space<vmem>>, vector<16xi32>,
    %jit3A_117 = arith.constant 64 : i32
    %jit3A_118 = arith.constant 0 : i32
    %broadcast_in_dim3A_119 = vector.broadcast %jit3A_117 : i32 to vector<16xi32>
    %broadcast_in_dim3A_120 = vector.broadcast %jit3A_118 : i32 to vector<16xi32>
    %select_n3A_121 = arith.select %ge3A_110, %broadcast_in_dim3A_119, %broadcast_in_dim3A_120 : vector<16xi1>, vector<16xi32>
    %swap3A_122 = arith.constant 96 : index
    %swap3A_123 = tpu.vector_load %arg6[%swap3A_122] {strides = array<i32>} : memref<128xi32, #tpu.memory_space<vmem>>, vector<16xi32>,
    tpu.vector_store %arg6[%swap3A_122], %select_n3A_121 {strides = array<i32>} : memref<128xi32, #tpu.memory_space<vmem>>, vector<16xi32>,
    %get3A_124 = arith.constant 112 : index
    %get3A_125 = tpu.vector_load %arg21[%get3A_124] {strides = array<i32>} : memref<128xi32, #tpu.memory_space<vmem>>, vector<16xi32>,
    %ge3A_126 = arith.constant 499712 : i32
    %ge3A_127 = vector.broadcast %ge3A_126 : i32 to vector<16xi32>
    %ge3A_128 = arith.cmpi sge, %get3A_125, %ge3A_127 : vector<16xi32>
    %sub3A_129 = arith.constant 499712 : i32
    %sub3A_130 = vector.broadcast %sub3A_129 : i32 to vector<16xi32>
    %sub3A_131 = arith.subi %get3A_125, %sub3A_130 : vector<16xi32>
    %select_n3A_132 = arith.select %ge3A_128, %sub3A_131, %get3A_125 : vector<16xi1>, vector<16xi32>
    %swap3A_133 = arith.constant 112 : index
    %swap3A_134 = tpu.vector_load %arg15[%swap3A_133] {strides = array<i32>} : memref<128xi32, #tpu.memory_space<vmem>>, vector<16xi32>,
    tpu.vector_store %arg15[%swap3A_133], %select_n3A_132 {strides = array<i32>} : memref<128xi32, #tpu.memory_space<vmem>>, vector<16xi32>,
    %jit3A_135 = arith.constant 64 : i32
    %jit3A_136 = arith.constant 0 : i32
    %broadcast_in_dim3A_137 = vector.broadcast %jit3A_135 : i32 to vector<16xi32>
    %broadcast_in_dim3A_138 = vector.broadcast %jit3A_136 : i32 to vector<16xi32>
    %select_n3A_139 = arith.select %ge3A_128, %broadcast_in_dim3A_137, %broadcast_in_dim3A_138 : vector<16xi1>, vector<16xi32>
    %swap3A_140 = arith.constant 112 : index
    %swap3A_141 = tpu.vector_load %arg6[%swap3A_140] {strides = array<i32>} : memref<128xi32, #tpu.memory_space<vmem>>, vector<16xi32>,
    tpu.vector_store %arg6[%swap3A_140], %select_n3A_139 {strides = array<i32>} : memref<128xi32, #tpu.memory_space<vmem>>, vector<16xi32>,
    %get3A_142 = arith.constant 0 : index
    %get3A_143 = tpu.vector_load %arg23[%get3A_142] {strides = array<i32>} : memref<128xi32, #tpu.memory_space<vmem>>, vector<16xi32>,
    %ge3A_144 = arith.constant 499712 : i32
    %ge3A_145 = vector.broadcast %ge3A_144 : i32 to vector<16xi32>
    %ge3A_146 = arith.cmpi sge, %get3A_143, %ge3A_145 : vector<16xi32>
    %sub3A_147 = arith.constant 499712 : i32
    %sub3A_148 = vector.broadcast %sub3A_147 : i32 to vector<16xi32>
    %sub3A_149 = arith.subi %get3A_143, %sub3A_148 : vector<16xi32>
    %select_n3A_150 = arith.select %ge3A_146, %sub3A_149, %get3A_143 : vector<16xi1>, vector<16xi32>
    %swap3A_151 = arith.constant 0 : index
    %swap3A_152 = tpu.vector_load %arg17[%swap3A_151] {strides = array<i32>} : memref<128xi32, #tpu.memory_space<vmem>>, vector<16xi32>,
    tpu.vector_store %arg17[%swap3A_151], %select_n3A_150 {strides = array<i32>} : memref<128xi32, #tpu.memory_space<vmem>>, vector<16xi32>,
    %jit3A_153 = arith.constant 64 : i32
    %jit3A_154 = arith.constant 0 : i32
    %broadcast_in_dim3A_155 = vector.broadcast %jit3A_153 : i32 to vector<16xi32>
    %broadcast_in_dim3A_156 = vector.broadcast %jit3A_154 : i32 to vector<16xi32>
    %select_n3A_157 = arith.select %ge3A_146, %broadcast_in_dim3A_155, %broadcast_in_dim3A_156 : vector<16xi1>, vector<16xi32>
    %swap3A_158 = arith.constant 0 : index
    %swap3A_159 = tpu.vector_load %arg8[%swap3A_158] {strides = array<i32>} : memref<128xi32, #tpu.memory_space<vmem>>, vector<16xi32>,
    tpu.vector_store %arg8[%swap3A_158], %select_n3A_157 {strides = array<i32>} : memref<128xi32, #tpu.memory_space<vmem>>, vector<16xi32>,
    %get3A_160 = arith.constant 16 : index
    %get3A_161 = tpu.vector_load %arg23[%get3A_160] {strides = array<i32>} : memref<128xi32, #tpu.memory_space<vmem>>, vector<16xi32>,
    %ge3A_162 = arith.constant 499712 : i32
    %ge3A_163 = vector.broadcast %ge3A_162 : i32 to vector<16xi32>
    %ge3A_164 = arith.cmpi sge, %get3A_161, %ge3A_163 : vector<16xi32>
    %sub3A_165 = arith.constant 499712 : i32
    %sub3A_166 = vector.broadcast %sub3A_165 : i32 to vector<16xi32>
    %sub3A_167 = arith.subi %get3A_161, %sub3A_166 : vector<16xi32>
    %select_n3A_168 = arith.select %ge3A_164, %sub3A_167, %get3A_161 : vector<16xi1>, vector<16xi32>
    %swap3A_169 = arith.constant 16 : index
    %swap3A_170 = tpu.vector_load %arg17[%swap3A_169] {strides = array<i32>} : memref<128xi32, #tpu.memory_space<vmem>>, vector<16xi32>,
    tpu.vector_store %arg17[%swap3A_169], %select_n3A_168 {strides = array<i32>} : memref<128xi32, #tpu.memory_space<vmem>>, vector<16xi32>,
    %jit3A_171 = arith.constant 64 : i32
    %jit3A_172 = arith.constant 0 : i32
    %broadcast_in_dim3A_173 = vector.broadcast %jit3A_171 : i32 to vector<16xi32>
    %broadcast_in_dim3A_174 = vector.broadcast %jit3A_172 : i32 to vector<16xi32>
    %select_n3A_175 = arith.select %ge3A_164, %broadcast_in_dim3A_173, %broadcast_in_dim3A_174 : vector<16xi1>, vector<16xi32>
    %swap3A_176 = arith.constant 16 : index
    %swap3A_177 = tpu.vector_load %arg8[%swap3A_176] {strides = array<i32>} : memref<128xi32, #tpu.memory_space<vmem>>, vector<16xi32>,
    tpu.vector_store %arg8[%swap3A_176], %select_n3A_175 {strides = array<i32>} : memref<128xi32, #tpu.memory_space<vmem>>, vector<16xi32>,
    %get3A_178 = arith.constant 32 : index
    %get3A_179 = tpu.vector_load %arg23[%get3A_178] {strides = array<i32>} : memref<128xi32, #tpu.memory_space<vmem>>, vector<16xi32>,
    %ge3A_180 = arith.constant 499712 : i32
    %ge3A_181 = vector.broadcast %ge3A_180 : i32 to vector<16xi32>
    %ge3A_182 = arith.cmpi sge, %get3A_179, %ge3A_181 : vector<16xi32>
    %sub3A_183 = arith.constant 499712 : i32
    %sub3A_184 = vector.broadcast %sub3A_183 : i32 to vector<16xi32>
    %sub3A_185 = arith.subi %get3A_179, %sub3A_184 : vector<16xi32>
    %select_n3A_186 = arith.select %ge3A_182, %sub3A_185, %get3A_179 : vector<16xi1>, vector<16xi32>
    %swap3A_187 = arith.constant 32 : index
    %swap3A_188 = tpu.vector_load %arg17[%swap3A_187] {strides = array<i32>} : memref<128xi32, #tpu.memory_space<vmem>>, vector<16xi32>,
    tpu.vector_store %arg17[%swap3A_187], %select_n3A_186 {strides = array<i32>} : memref<128xi32, #tpu.memory_space<vmem>>, vector<16xi32>,
    %jit3A_189 = arith.constant 64 : i32
    %jit3A_190 = arith.constant 0 : i32
    %broadcast_in_dim3A_191 = vector.broadcast %jit3A_189 : i32 to vector<16xi32>
    %broadcast_in_dim3A_192 = vector.broadcast %jit3A_190 : i32 to vector<16xi32>
    %select_n3A_193 = arith.select %ge3A_182, %broadcast_in_dim3A_191, %broadcast_in_dim3A_192 : vector<16xi1>, vector<16xi32>
    %swap3A_194 = arith.constant 32 : index
    %swap3A_195 = tpu.vector_load %arg8[%swap3A_194] {strides = array<i32>} : memref<128xi32, #tpu.memory_space<vmem>>, vector<16xi32>,
    tpu.vector_store %arg8[%swap3A_194], %select_n3A_193 {strides = array<i32>} : memref<128xi32, #tpu.memory_space<vmem>>, vector<16xi32>,
    %get3A_196 = arith.constant 48 : index
    %get3A_197 = tpu.vector_load %arg23[%get3A_196] {strides = array<i32>} : memref<128xi32, #tpu.memory_space<vmem>>, vector<16xi32>,
    %ge3A_198 = arith.constant 499712 : i32
    %ge3A_199 = vector.broadcast %ge3A_198 : i32 to vector<16xi32>
    %ge3A_200 = arith.cmpi sge, %get3A_197, %ge3A_199 : vector<16xi32>
    %sub3A_201 = arith.constant 499712 : i32
    %sub3A_202 = vector.broadcast %sub3A_201 : i32 to vector<16xi32>
    %sub3A_203 = arith.subi %get3A_197, %sub3A_202 : vector<16xi32>
    %select_n3A_204 = arith.select %ge3A_200, %sub3A_203, %get3A_197 : vector<16xi1>, vector<16xi32>
    %swap3A_205 = arith.constant 48 : index
    %swap3A_206 = tpu.vector_load %arg17[%swap3A_205] {strides = array<i32>} : memref<128xi32, #tpu.memory_space<vmem>>, vector<16xi32>,
    tpu.vector_store %arg17[%swap3A_205], %select_n3A_204 {strides = array<i32>} : memref<128xi32, #tpu.memory_space<vmem>>, vector<16xi32>,
    %jit3A_207 = arith.constant 64 : i32
    %jit3A_208 = arith.constant 0 : i32
    %broadcast_in_dim3A_209 = vector.broadcast %jit3A_207 : i32 to vector<16xi32>
    %broadcast_in_dim3A_210 = vector.broadcast %jit3A_208 : i32 to vector<16xi32>
    %select_n3A_211 = arith.select %ge3A_200, %broadcast_in_dim3A_209, %broadcast_in_dim3A_210 : vector<16xi1>, vector<16xi32>
    %swap3A_212 = arith.constant 48 : index
    %swap3A_213 = tpu.vector_load %arg8[%swap3A_212] {strides = array<i32>} : memref<128xi32, #tpu.memory_space<vmem>>, vector<16xi32>,
    tpu.vector_store %arg8[%swap3A_212], %select_n3A_211 {strides = array<i32>} : memref<128xi32, #tpu.memory_space<vmem>>, vector<16xi32>,
    %get3A_214 = arith.constant 64 : index
    %get3A_215 = tpu.vector_load %arg23[%get3A_214] {strides = array<i32>} : memref<128xi32, #tpu.memory_space<vmem>>, vector<16xi32>,
    %ge3A_216 = arith.constant 499712 : i32
    %ge3A_217 = vector.broadcast %ge3A_216 : i32 to vector<16xi32>
    %ge3A_218 = arith.cmpi sge, %get3A_215, %ge3A_217 : vector<16xi32>
    %sub3A_219 = arith.constant 499712 : i32
    %sub3A_220 = vector.broadcast %sub3A_219 : i32 to vector<16xi32>
    %sub3A_221 = arith.subi %get3A_215, %sub3A_220 : vector<16xi32>
    %select_n3A_222 = arith.select %ge3A_218, %sub3A_221, %get3A_215 : vector<16xi1>, vector<16xi32>
    %swap3A_223 = arith.constant 64 : index
    %swap3A_224 = tpu.vector_load %arg17[%swap3A_223] {strides = array<i32>} : memref<128xi32, #tpu.memory_space<vmem>>, vector<16xi32>,
    tpu.vector_store %arg17[%swap3A_223], %select_n3A_222 {strides = array<i32>} : memref<128xi32, #tpu.memory_space<vmem>>, vector<16xi32>,
    %jit3A_225 = arith.constant 64 : i32
    %jit3A_226 = arith.constant 0 : i32
    %broadcast_in_dim3A_227 = vector.broadcast %jit3A_225 : i32 to vector<16xi32>
    %broadcast_in_dim3A_228 = vector.broadcast %jit3A_226 : i32 to vector<16xi32>
    %select_n3A_229 = arith.select %ge3A_218, %broadcast_in_dim3A_227, %broadcast_in_dim3A_228 : vector<16xi1>, vector<16xi32>
    %swap3A_230 = arith.constant 64 : index
    %swap3A_231 = tpu.vector_load %arg8[%swap3A_230] {strides = array<i32>} : memref<128xi32, #tpu.memory_space<vmem>>, vector<16xi32>,
    tpu.vector_store %arg8[%swap3A_230], %select_n3A_229 {strides = array<i32>} : memref<128xi32, #tpu.memory_space<vmem>>, vector<16xi32>,
    %get3A_232 = arith.constant 80 : index
    %get3A_233 = tpu.vector_load %arg23[%get3A_232] {strides = array<i32>} : memref<128xi32, #tpu.memory_space<vmem>>, vector<16xi32>,
    %ge3A_234 = arith.constant 499712 : i32
    %ge3A_235 = vector.broadcast %ge3A_234 : i32 to vector<16xi32>
    %ge3A_236 = arith.cmpi sge, %get3A_233, %ge3A_235 : vector<16xi32>
    %sub3A_237 = arith.constant 499712 : i32
    %sub3A_238 = vector.broadcast %sub3A_237 : i32 to vector<16xi32>
    %sub3A_239 = arith.subi %get3A_233, %sub3A_238 : vector<16xi32>
    %select_n3A_240 = arith.select %ge3A_236, %sub3A_239, %get3A_233 : vector<16xi1>, vector<16xi32>
    %swap3A_241 = arith.constant 80 : index
    %swap3A_242 = tpu.vector_load %arg17[%swap3A_241] {strides = array<i32>} : memref<128xi32, #tpu.memory_space<vmem>>, vector<16xi32>,
    tpu.vector_store %arg17[%swap3A_241], %select_n3A_240 {strides = array<i32>} : memref<128xi32, #tpu.memory_space<vmem>>, vector<16xi32>,
    %jit3A_243 = arith.constant 64 : i32
    %jit3A_244 = arith.constant 0 : i32
    %broadcast_in_dim3A_245 = vector.broadcast %jit3A_243 : i32 to vector<16xi32>
    %broadcast_in_dim3A_246 = vector.broadcast %jit3A_244 : i32 to vector<16xi32>
    %select_n3A_247 = arith.select %ge3A_236, %broadcast_in_dim3A_245, %broadcast_in_dim3A_246 : vector<16xi1>, vector<16xi32>
    %swap3A_248 = arith.constant 80 : index
    %swap3A_249 = tpu.vector_load %arg8[%swap3A_248] {strides = array<i32>} : memref<128xi32, #tpu.memory_space<vmem>>, vector<16xi32>,
    tpu.vector_store %arg8[%swap3A_248], %select_n3A_247 {strides = array<i32>} : memref<128xi32, #tpu.memory_space<vmem>>, vector<16xi32>,
    %get3A_250 = arith.constant 96 : index
    %get3A_251 = tpu.vector_load %arg23[%get3A_250] {strides = array<i32>} : memref<128xi32, #tpu.memory_space<vmem>>, vector<16xi32>,
    %ge3A_252 = arith.constant 499712 : i32
    %ge3A_253 = vector.broadcast %ge3A_252 : i32 to vector<16xi32>
    %ge3A_254 = arith.cmpi sge, %get3A_251, %ge3A_253 : vector<16xi32>
    %sub3A_255 = arith.constant 499712 : i32
    %sub3A_256 = vector.broadcast %sub3A_255 : i32 to vector<16xi32>
    %sub3A_257 = arith.subi %get3A_251, %sub3A_256 : vector<16xi32>
    %select_n3A_258 = arith.select %ge3A_254, %sub3A_257, %get3A_251 : vector<16xi1>, vector<16xi32>
    %swap3A_259 = arith.constant 96 : index
    %swap3A_260 = tpu.vector_load %arg17[%swap3A_259] {strides = array<i32>} : memref<128xi32, #tpu.memory_space<vmem>>, vector<16xi32>,
    tpu.vector_store %arg17[%swap3A_259], %select_n3A_258 {strides = array<i32>} : memref<128xi32, #tpu.memory_space<vmem>>, vector<16xi32>,
    %jit3A_261 = arith.constant 64 : i32
    %jit3A_262 = arith.constant 0 : i32
    %broadcast_in_dim3A_263 = vector.broadcast %jit3A_261 : i32 to vector<16xi32>
    %broadcast_in_dim3A_264 = vector.broadcast %jit3A_262 : i32 to vector<16xi32>
    %select_n3A_265 = arith.select %ge3A_254, %broadcast_in_dim3A_263, %broadcast_in_dim3A_264 : vector<16xi1>, vector<16xi32>
    %swap3A_266 = arith.constant 96 : index
    %swap3A_267 = tpu.vector_load %arg8[%swap3A_266] {strides = array<i32>} : memref<128xi32, #tpu.memory_space<vmem>>, vector<16xi32>,
    tpu.vector_store %arg8[%swap3A_266], %select_n3A_265 {strides = array<i32>} : memref<128xi32, #tpu.memory_space<vmem>>, vector<16xi32>,
    %get3A_268 = arith.constant 112 : index
    %get3A_269 = tpu.vector_load %arg23[%get3A_268] {strides = array<i32>} : memref<128xi32, #tpu.memory_space<vmem>>, vector<16xi32>,
    %ge3A_270 = arith.constant 499712 : i32
    %ge3A_271 = vector.broadcast %ge3A_270 : i32 to vector<16xi32>
    %ge3A_272 = arith.cmpi sge, %get3A_269, %ge3A_271 : vector<16xi32>
    %sub3A_273 = arith.constant 499712 : i32
    %sub3A_274 = vector.broadcast %sub3A_273 : i32 to vector<16xi32>
    %sub3A_275 = arith.subi %get3A_269, %sub3A_274 : vector<16xi32>
    %select_n3A_276 = arith.select %ge3A_272, %sub3A_275, %get3A_269 : vector<16xi1>, vector<16xi32>
    %swap3A_277 = arith.constant 112 : index
    %swap3A_278 = tpu.vector_load %arg17[%swap3A_277] {strides = array<i32>} : memref<128xi32, #tpu.memory_space<vmem>>, vector<16xi32>,
    tpu.vector_store %arg17[%swap3A_277], %select_n3A_276 {strides = array<i32>} : memref<128xi32, #tpu.memory_space<vmem>>, vector<16xi32>,
    %jit3A_279 = arith.constant 64 : i32
    %jit3A_280 = arith.constant 0 : i32
    %broadcast_in_dim3A_281 = vector.broadcast %jit3A_279 : i32 to vector<16xi32>
    %broadcast_in_dim3A_282 = vector.broadcast %jit3A_280 : i32 to vector<16xi32>
    %select_n3A_283 = arith.select %ge3A_272, %broadcast_in_dim3A_281, %broadcast_in_dim3A_282 : vector<16xi1>, vector<16xi32>
    %swap3A_284 = arith.constant 112 : index
    %swap3A_285 = tpu.vector_load %arg8[%swap3A_284] {strides = array<i32>} : memref<128xi32, #tpu.memory_space<vmem>>, vector<16xi32>,
    tpu.vector_store %arg8[%swap3A_284], %select_n3A_283 {strides = array<i32>} : memref<128xi32, #tpu.memory_space<vmem>>, vector<16xi32>,
    %dma_start3A = arith.constant 0 : i32
    %dma_start3A_286 = arith.constant 0 : i32
    %dma_start3A_287 = tpu.memref_slice %arg4[%dma_start3A, %dma_start3A_286] : memref<503808x128xf32, #tpu.memory_space<hbm>> -> memref<503808x128xf32, #tpu.memory_space<hbm>>
    tpu.enqueue_indirect_dma source(%dma_start3A_287 : memref<503808x128xf32, #tpu.memory_space<hbm>>) target(%arg10 : memref<128x128xf32, #tpu.memory_space<vmem>>) offsets(%arg15 : memref<128xi32, #tpu.memory_space<vmem>>) semaphore(%arg19 : memref<!tpu.dma_semaphore, #tpu.memory_space<semaphore_mem>>)
    %dma_start3A_288 = arith.constant 0 : i32
    %dma_start3A_289 = arith.constant 0 : i32
    %dma_start3A_290 = tpu.memref_slice %arg4[%dma_start3A_288, %dma_start3A_289] : memref<503808x128xf32, #tpu.memory_space<hbm>> -> memref<503808x128xf32, #tpu.memory_space<hbm>>
    tpu.enqueue_indirect_dma source(%dma_start3A_290 : memref<503808x128xf32, #tpu.memory_space<hbm>>) target(%arg12 : memref<128x128xf32, #tpu.memory_space<vmem>>) offsets(%arg17 : memref<128xi32, #tpu.memory_space<vmem>>) semaphore(%arg19 : memref<!tpu.dma_semaphore, #tpu.memory_space<semaphore_mem>>)
    %add3A_291 = arith.constant 128 : i32
    %add3A_292 = arith.addi %mul3A_2, %add3A_291 : i32
    "tpu.region"() ({
      %run_scoped3A = tpu.sem_alloc : memref<!tpu.dma_semaphore, #tpu.memory_space<semaphore_mem>>
      %dma_start3A_1229 = tpu.memref_slice %arg2[%add3A_292] : memref<16384xi32, #tpu.memory_space<hbm>> -> memref<128xi32, #tpu.memory_space<hbm>>
      %dma_start3A_1230 = tpu.memref_slice %arg2[%add3A_292] : memref<16384xi32, #tpu.memory_space<hbm>> -> memref<128xi32, #tpu.memory_space<hbm>>
      tpu.enqueue_dma source(%dma_start3A_1230 : memref<128xi32, #tpu.memory_space<hbm>>) target(%arg22 : memref<128xi32, #tpu.memory_space<vmem>>) target_semaphore(%run_scoped3A : memref<!tpu.dma_semaphore, #tpu.memory_space<semaphore_mem>>)
      %dma_wait3A_1231 = tpu.memref_slice %arg2[%add3A_292] : memref<16384xi32, #tpu.memory_space<hbm>> -> memref<128xi32, #tpu.memory_space<hbm>>
      %dma_wait3A_1232 = tpu.memref_slice %arg2[%add3A_292] : memref<16384xi32, #tpu.memory_space<hbm>> -> memref<128xi32, #tpu.memory_space<hbm>>
      tpu.wait_dma2 semaphore(%run_scoped3A : memref<!tpu.dma_semaphore, #tpu.memory_space<semaphore_mem>>) src(%dma_wait3A_1232 : memref<128xi32, #tpu.memory_space<hbm>>) dst(%arg22 : memref<128xi32, #tpu.memory_space<vmem>>)
      tpu.yield
    }) : () -> ()
    "tpu.region"() ({
      %run_scoped3A = tpu.sem_alloc : memref<!tpu.dma_semaphore, #tpu.memory_space<semaphore_mem>>
      %dma_start3A_1229 = tpu.memref_slice %arg3[%add3A_292] : memref<16384xi32, #tpu.memory_space<hbm>> -> memref<128xi32, #tpu.memory_space<hbm>>
      %dma_start3A_1230 = tpu.memref_slice %arg3[%add3A_292] : memref<16384xi32, #tpu.memory_space<hbm>> -> memref<128xi32, #tpu.memory_space<hbm>>
      tpu.enqueue_dma source(%dma_start3A_1230 : memref<128xi32, #tpu.memory_space<hbm>>) target(%arg24 : memref<128xi32, #tpu.memory_space<vmem>>) target_semaphore(%run_scoped3A : memref<!tpu.dma_semaphore, #tpu.memory_space<semaphore_mem>>)
      %dma_wait3A_1231 = tpu.memref_slice %arg3[%add3A_292] : memref<16384xi32, #tpu.memory_space<hbm>> -> memref<128xi32, #tpu.memory_space<hbm>>
      %dma_wait3A_1232 = tpu.memref_slice %arg3[%add3A_292] : memref<16384xi32, #tpu.memory_space<hbm>> -> memref<128xi32, #tpu.memory_space<hbm>>
      tpu.wait_dma2 semaphore(%run_scoped3A : memref<!tpu.dma_semaphore, #tpu.memory_space<semaphore_mem>>) src(%dma_wait3A_1232 : memref<128xi32, #tpu.memory_space<hbm>>) dst(%arg24 : memref<128xi32, #tpu.memory_space<vmem>>)
      tpu.yield
    }) : () -> ()
    %get3A_293 = arith.constant 0 : index
    %get3A_294 = tpu.vector_load %arg22[%get3A_293] {strides = array<i32>} : memref<128xi32, #tpu.memory_space<vmem>>, vector<16xi32>,
    %ge3A_295 = arith.constant 499712 : i32
    %ge3A_296 = vector.broadcast %ge3A_295 : i32 to vector<16xi32>
    %ge3A_297 = arith.cmpi sge, %get3A_294, %ge3A_296 : vector<16xi32>
    %sub3A_298 = arith.constant 499712 : i32
    %sub3A_299 = vector.broadcast %sub3A_298 : i32 to vector<16xi32>
    %sub3A_300 = arith.subi %get3A_294, %sub3A_299 : vector<16xi32>
    %select_n3A_301 = arith.select %ge3A_297, %sub3A_300, %get3A_294 : vector<16xi1>, vector<16xi32>
    %swap3A_302 = arith.constant 0 : index
    %swap3A_303 = tpu.vector_load %arg16[%swap3A_302] {strides = array<i32>} : memref<128xi32, #tpu.memory_space<vmem>>, vector<16xi32>,
    tpu.vector_store %arg16[%swap3A_302], %select_n3A_301 {strides = array<i32>} : memref<128xi32, #tpu.memory_space<vmem>>, vector<16xi32>,
    %jit3A_304 = arith.constant 64 : i32
    %jit3A_305 = arith.constant 0 : i32
    %broadcast_in_dim3A_306 = vector.broadcast %jit3A_304 : i32 to vector<16xi32>
    %broadcast_in_dim3A_307 = vector.broadcast %jit3A_305 : i32 to vector<16xi32>
    %select_n3A_308 = arith.select %ge3A_297, %broadcast_in_dim3A_306, %broadcast_in_dim3A_307 : vector<16xi1>, vector<16xi32>
    %swap3A_309 = arith.constant 0 : index
    %swap3A_310 = tpu.vector_load %arg7[%swap3A_309] {strides = array<i32>} : memref<128xi32, #tpu.memory_space<vmem>>, vector<16xi32>,
    tpu.vector_store %arg7[%swap3A_309], %select_n3A_308 {strides = array<i32>} : memref<128xi32, #tpu.memory_space<vmem>>, vector<16xi32>,
    %get3A_311 = arith.constant 16 : index
    %get3A_312 = tpu.vector_load %arg22[%get3A_311] {strides = array<i32>} : memref<128xi32, #tpu.memory_space<vmem>>, vector<16xi32>,
    %ge3A_313 = arith.constant 499712 : i32
    %ge3A_314 = vector.broadcast %ge3A_313 : i32 to vector<16xi32>
    %ge3A_315 = arith.cmpi sge, %get3A_312, %ge3A_314 : vector<16xi32>
    %sub3A_316 = arith.constant 499712 : i32
    %sub3A_317 = vector.broadcast %sub3A_316 : i32 to vector<16xi32>
    %sub3A_318 = arith.subi %get3A_312, %sub3A_317 : vector<16xi32>
    %select_n3A_319 = arith.select %ge3A_315, %sub3A_318, %get3A_312 : vector<16xi1>, vector<16xi32>
    %swap3A_320 = arith.constant 16 : index
    %swap3A_321 = tpu.vector_load %arg16[%swap3A_320] {strides = array<i32>} : memref<128xi32, #tpu.memory_space<vmem>>, vector<16xi32>,
    tpu.vector_store %arg16[%swap3A_320], %select_n3A_319 {strides = array<i32>} : memref<128xi32, #tpu.memory_space<vmem>>, vector<16xi32>,
    %jit3A_322 = arith.constant 64 : i32
    %jit3A_323 = arith.constant 0 : i32
    %broadcast_in_dim3A_324 = vector.broadcast %jit3A_322 : i32 to vector<16xi32>
    %broadcast_in_dim3A_325 = vector.broadcast %jit3A_323 : i32 to vector<16xi32>
    %select_n3A_326 = arith.select %ge3A_315, %broadcast_in_dim3A_324, %broadcast_in_dim3A_325 : vector<16xi1>, vector<16xi32>
    %swap3A_327 = arith.constant 16 : index
    %swap3A_328 = tpu.vector_load %arg7[%swap3A_327] {strides = array<i32>} : memref<128xi32, #tpu.memory_space<vmem>>, vector<16xi32>,
    tpu.vector_store %arg7[%swap3A_327], %select_n3A_326 {strides = array<i32>} : memref<128xi32, #tpu.memory_space<vmem>>, vector<16xi32>,
    %get3A_329 = arith.constant 32 : index
    %get3A_330 = tpu.vector_load %arg22[%get3A_329] {strides = array<i32>} : memref<128xi32, #tpu.memory_space<vmem>>, vector<16xi32>,
    %ge3A_331 = arith.constant 499712 : i32
    %ge3A_332 = vector.broadcast %ge3A_331 : i32 to vector<16xi32>
    %ge3A_333 = arith.cmpi sge, %get3A_330, %ge3A_332 : vector<16xi32>
    %sub3A_334 = arith.constant 499712 : i32
    %sub3A_335 = vector.broadcast %sub3A_334 : i32 to vector<16xi32>
    %sub3A_336 = arith.subi %get3A_330, %sub3A_335 : vector<16xi32>
    %select_n3A_337 = arith.select %ge3A_333, %sub3A_336, %get3A_330 : vector<16xi1>, vector<16xi32>
    %swap3A_338 = arith.constant 32 : index
    %swap3A_339 = tpu.vector_load %arg16[%swap3A_338] {strides = array<i32>} : memref<128xi32, #tpu.memory_space<vmem>>, vector<16xi32>,
    tpu.vector_store %arg16[%swap3A_338], %select_n3A_337 {strides = array<i32>} : memref<128xi32, #tpu.memory_space<vmem>>, vector<16xi32>,
    %jit3A_340 = arith.constant 64 : i32
    %jit3A_341 = arith.constant 0 : i32
    %broadcast_in_dim3A_342 = vector.broadcast %jit3A_340 : i32 to vector<16xi32>
    %broadcast_in_dim3A_343 = vector.broadcast %jit3A_341 : i32 to vector<16xi32>
    %select_n3A_344 = arith.select %ge3A_333, %broadcast_in_dim3A_342, %broadcast_in_dim3A_343 : vector<16xi1>, vector<16xi32>
    %swap3A_345 = arith.constant 32 : index
    %swap3A_346 = tpu.vector_load %arg7[%swap3A_345] {strides = array<i32>} : memref<128xi32, #tpu.memory_space<vmem>>, vector<16xi32>,
    tpu.vector_store %arg7[%swap3A_345], %select_n3A_344 {strides = array<i32>} : memref<128xi32, #tpu.memory_space<vmem>>, vector<16xi32>,
    %get3A_347 = arith.constant 48 : index
    %get3A_348 = tpu.vector_load %arg22[%get3A_347] {strides = array<i32>} : memref<128xi32, #tpu.memory_space<vmem>>, vector<16xi32>,
    %ge3A_349 = arith.constant 499712 : i32
    %ge3A_350 = vector.broadcast %ge3A_349 : i32 to vector<16xi32>
    %ge3A_351 = arith.cmpi sge, %get3A_348, %ge3A_350 : vector<16xi32>
    %sub3A_352 = arith.constant 499712 : i32
    %sub3A_353 = vector.broadcast %sub3A_352 : i32 to vector<16xi32>
    %sub3A_354 = arith.subi %get3A_348, %sub3A_353 : vector<16xi32>
    %select_n3A_355 = arith.select %ge3A_351, %sub3A_354, %get3A_348 : vector<16xi1>, vector<16xi32>
    %swap3A_356 = arith.constant 48 : index
    %swap3A_357 = tpu.vector_load %arg16[%swap3A_356] {strides = array<i32>} : memref<128xi32, #tpu.memory_space<vmem>>, vector<16xi32>,
    tpu.vector_store %arg16[%swap3A_356], %select_n3A_355 {strides = array<i32>} : memref<128xi32, #tpu.memory_space<vmem>>, vector<16xi32>,
    %jit3A_358 = arith.constant 64 : i32
    %jit3A_359 = arith.constant 0 : i32
    %broadcast_in_dim3A_360 = vector.broadcast %jit3A_358 : i32 to vector<16xi32>
    %broadcast_in_dim3A_361 = vector.broadcast %jit3A_359 : i32 to vector<16xi32>
    %select_n3A_362 = arith.select %ge3A_351, %broadcast_in_dim3A_360, %broadcast_in_dim3A_361 : vector<16xi1>, vector<16xi32>
    %swap3A_363 = arith.constant 48 : index
    %swap3A_364 = tpu.vector_load %arg7[%swap3A_363] {strides = array<i32>} : memref<128xi32, #tpu.memory_space<vmem>>, vector<16xi32>,
    tpu.vector_store %arg7[%swap3A_363], %select_n3A_362 {strides = array<i32>} : memref<128xi32, #tpu.memory_space<vmem>>, vector<16xi32>,
    %get3A_365 = arith.constant 64 : index
    %get3A_366 = tpu.vector_load %arg22[%get3A_365] {strides = array<i32>} : memref<128xi32, #tpu.memory_space<vmem>>, vector<16xi32>,
    %ge3A_367 = arith.constant 499712 : i32
    %ge3A_368 = vector.broadcast %ge3A_367 : i32 to vector<16xi32>
    %ge3A_369 = arith.cmpi sge, %get3A_366, %ge3A_368 : vector<16xi32>
    %sub3A_370 = arith.constant 499712 : i32
    %sub3A_371 = vector.broadcast %sub3A_370 : i32 to vector<16xi32>
    %sub3A_372 = arith.subi %get3A_366, %sub3A_371 : vector<16xi32>
    %select_n3A_373 = arith.select %ge3A_369, %sub3A_372, %get3A_366 : vector<16xi1>, vector<16xi32>
    %swap3A_374 = arith.constant 64 : index
    %swap3A_375 = tpu.vector_load %arg16[%swap3A_374] {strides = array<i32>} : memref<128xi32, #tpu.memory_space<vmem>>, vector<16xi32>,
    tpu.vector_store %arg16[%swap3A_374], %select_n3A_373 {strides = array<i32>} : memref<128xi32, #tpu.memory_space<vmem>>, vector<16xi32>,
    %jit3A_376 = arith.constant 64 : i32
    %jit3A_377 = arith.constant 0 : i32
    %broadcast_in_dim3A_378 = vector.broadcast %jit3A_376 : i32 to vector<16xi32>
    %broadcast_in_dim3A_379 = vector.broadcast %jit3A_377 : i32 to vector<16xi32>
    %select_n3A_380 = arith.select %ge3A_369, %broadcast_in_dim3A_378, %broadcast_in_dim3A_379 : vector<16xi1>, vector<16xi32>
    %swap3A_381 = arith.constant 64 : index
    %swap3A_382 = tpu.vector_load %arg7[%swap3A_381] {strides = array<i32>} : memref<128xi32, #tpu.memory_space<vmem>>, vector<16xi32>,
    tpu.vector_store %arg7[%swap3A_381], %select_n3A_380 {strides = array<i32>} : memref<128xi32, #tpu.memory_space<vmem>>, vector<16xi32>,
    %get3A_383 = arith.constant 80 : index
    %get3A_384 = tpu.vector_load %arg22[%get3A_383] {strides = array<i32>} : memref<128xi32, #tpu.memory_space<vmem>>, vector<16xi32>,
    %ge3A_385 = arith.constant 499712 : i32
    %ge3A_386 = vector.broadcast %ge3A_385 : i32 to vector<16xi32>
    %ge3A_387 = arith.cmpi sge, %get3A_384, %ge3A_386 : vector<16xi32>
    %sub3A_388 = arith.constant 499712 : i32
    %sub3A_389 = vector.broadcast %sub3A_388 : i32 to vector<16xi32>
    %sub3A_390 = arith.subi %get3A_384, %sub3A_389 : vector<16xi32>
    %select_n3A_391 = arith.select %ge3A_387, %sub3A_390, %get3A_384 : vector<16xi1>, vector<16xi32>
    %swap3A_392 = arith.constant 80 : index
    %swap3A_393 = tpu.vector_load %arg16[%swap3A_392] {strides = array<i32>} : memref<128xi32, #tpu.memory_space<vmem>>, vector<16xi32>,
    tpu.vector_store %arg16[%swap3A_392], %select_n3A_391 {strides = array<i32>} : memref<128xi32, #tpu.memory_space<vmem>>, vector<16xi32>,
    %jit3A_394 = arith.constant 64 : i32
    %jit3A_395 = arith.constant 0 : i32
    %broadcast_in_dim3A_396 = vector.broadcast %jit3A_394 : i32 to vector<16xi32>
    %broadcast_in_dim3A_397 = vector.broadcast %jit3A_395 : i32 to vector<16xi32>
    %select_n3A_398 = arith.select %ge3A_387, %broadcast_in_dim3A_396, %broadcast_in_dim3A_397 : vector<16xi1>, vector<16xi32>
    %swap3A_399 = arith.constant 80 : index
    %swap3A_400 = tpu.vector_load %arg7[%swap3A_399] {strides = array<i32>} : memref<128xi32, #tpu.memory_space<vmem>>, vector<16xi32>,
    tpu.vector_store %arg7[%swap3A_399], %select_n3A_398 {strides = array<i32>} : memref<128xi32, #tpu.memory_space<vmem>>, vector<16xi32>,
    %get3A_401 = arith.constant 96 : index
    %get3A_402 = tpu.vector_load %arg22[%get3A_401] {strides = array<i32>} : memref<128xi32, #tpu.memory_space<vmem>>, vector<16xi32>,
    %ge3A_403 = arith.constant 499712 : i32
    %ge3A_404 = vector.broadcast %ge3A_403 : i32 to vector<16xi32>
    %ge3A_405 = arith.cmpi sge, %get3A_402, %ge3A_404 : vector<16xi32>
    %sub3A_406 = arith.constant 499712 : i32
    %sub3A_407 = vector.broadcast %sub3A_406 : i32 to vector<16xi32>
    %sub3A_408 = arith.subi %get3A_402, %sub3A_407 : vector<16xi32>
    %select_n3A_409 = arith.select %ge3A_405, %sub3A_408, %get3A_402 : vector<16xi1>, vector<16xi32>
    %swap3A_410 = arith.constant 96 : index
    %swap3A_411 = tpu.vector_load %arg16[%swap3A_410] {strides = array<i32>} : memref<128xi32, #tpu.memory_space<vmem>>, vector<16xi32>,
    tpu.vector_store %arg16[%swap3A_410], %select_n3A_409 {strides = array<i32>} : memref<128xi32, #tpu.memory_space<vmem>>, vector<16xi32>,
    %jit3A_412 = arith.constant 64 : i32
    %jit3A_413 = arith.constant 0 : i32
    %broadcast_in_dim3A_414 = vector.broadcast %jit3A_412 : i32 to vector<16xi32>
    %broadcast_in_dim3A_415 = vector.broadcast %jit3A_413 : i32 to vector<16xi32>
    %select_n3A_416 = arith.select %ge3A_405, %broadcast_in_dim3A_414, %broadcast_in_dim3A_415 : vector<16xi1>, vector<16xi32>
    %swap3A_417 = arith.constant 96 : index
    %swap3A_418 = tpu.vector_load %arg7[%swap3A_417] {strides = array<i32>} : memref<128xi32, #tpu.memory_space<vmem>>, vector<16xi32>,
    tpu.vector_store %arg7[%swap3A_417], %select_n3A_416 {strides = array<i32>} : memref<128xi32, #tpu.memory_space<vmem>>, vector<16xi32>,
    %get3A_419 = arith.constant 112 : index
    %get3A_420 = tpu.vector_load %arg22[%get3A_419] {strides = array<i32>} : memref<128xi32, #tpu.memory_space<vmem>>, vector<16xi32>,
    %ge3A_421 = arith.constant 499712 : i32
    %ge3A_422 = vector.broadcast %ge3A_421 : i32 to vector<16xi32>
    %ge3A_423 = arith.cmpi sge, %get3A_420, %ge3A_422 : vector<16xi32>
    %sub3A_424 = arith.constant 499712 : i32
    %sub3A_425 = vector.broadcast %sub3A_424 : i32 to vector<16xi32>
    %sub3A_426 = arith.subi %get3A_420, %sub3A_425 : vector<16xi32>
    %select_n3A_427 = arith.select %ge3A_423, %sub3A_426, %get3A_420 : vector<16xi1>, vector<16xi32>
    %swap3A_428 = arith.constant 112 : index
    %swap3A_429 = tpu.vector_load %arg16[%swap3A_428] {strides = array<i32>} : memref<128xi32, #tpu.memory_space<vmem>>, vector<16xi32>,
    tpu.vector_store %arg16[%swap3A_428], %select_n3A_427 {strides = array<i32>} : memref<128xi32, #tpu.memory_space<vmem>>, vector<16xi32>,
    %jit3A_430 = arith.constant 64 : i32
    %jit3A_431 = arith.constant 0 : i32
    %broadcast_in_dim3A_432 = vector.broadcast %jit3A_430 : i32 to vector<16xi32>
    %broadcast_in_dim3A_433 = vector.broadcast %jit3A_431 : i32 to vector<16xi32>
    %select_n3A_434 = arith.select %ge3A_423, %broadcast_in_dim3A_432, %broadcast_in_dim3A_433 : vector<16xi1>, vector<16xi32>
    %swap3A_435 = arith.constant 112 : index
    %swap3A_436 = tpu.vector_load %arg7[%swap3A_435] {strides = array<i32>} : memref<128xi32, #tpu.memory_space<vmem>>, vector<16xi32>,
    tpu.vector_store %arg7[%swap3A_435], %select_n3A_434 {strides = array<i32>} : memref<128xi32, #tpu.memory_space<vmem>>, vector<16xi32>,
    %get3A_437 = arith.constant 0 : index
    %get3A_438 = tpu.vector_load %arg24[%get3A_437] {strides = array<i32>} : memref<128xi32, #tpu.memory_space<vmem>>, vector<16xi32>,
    %ge3A_439 = arith.constant 499712 : i32
    %ge3A_440 = vector.broadcast %ge3A_439 : i32 to vector<16xi32>
    %ge3A_441 = arith.cmpi sge, %get3A_438, %ge3A_440 : vector<16xi32>
    %sub3A_442 = arith.constant 499712 : i32
    %sub3A_443 = vector.broadcast %sub3A_442 : i32 to vector<16xi32>
    %sub3A_444 = arith.subi %get3A_438, %sub3A_443 : vector<16xi32>
    %select_n3A_445 = arith.select %ge3A_441, %sub3A_444, %get3A_438 : vector<16xi1>, vector<16xi32>
    %swap3A_446 = arith.constant 0 : index
    %swap3A_447 = tpu.vector_load %arg18[%swap3A_446] {strides = array<i32>} : memref<128xi32, #tpu.memory_space<vmem>>, vector<16xi32>,
    tpu.vector_store %arg18[%swap3A_446], %select_n3A_445 {strides = array<i32>} : memref<128xi32, #tpu.memory_space<vmem>>, vector<16xi32>,
    %jit3A_448 = arith.constant 64 : i32
    %jit3A_449 = arith.constant 0 : i32
    %broadcast_in_dim3A_450 = vector.broadcast %jit3A_448 : i32 to vector<16xi32>
    %broadcast_in_dim3A_451 = vector.broadcast %jit3A_449 : i32 to vector<16xi32>
    %select_n3A_452 = arith.select %ge3A_441, %broadcast_in_dim3A_450, %broadcast_in_dim3A_451 : vector<16xi1>, vector<16xi32>
    %swap3A_453 = arith.constant 0 : index
    %swap3A_454 = tpu.vector_load %arg9[%swap3A_453] {strides = array<i32>} : memref<128xi32, #tpu.memory_space<vmem>>, vector<16xi32>,
    tpu.vector_store %arg9[%swap3A_453], %select_n3A_452 {strides = array<i32>} : memref<128xi32, #tpu.memory_space<vmem>>, vector<16xi32>,
    %get3A_455 = arith.constant 16 : index
    %get3A_456 = tpu.vector_load %arg24[%get3A_455] {strides = array<i32>} : memref<128xi32, #tpu.memory_space<vmem>>, vector<16xi32>,
    %ge3A_457 = arith.constant 499712 : i32
    %ge3A_458 = vector.broadcast %ge3A_457 : i32 to vector<16xi32>
    %ge3A_459 = arith.cmpi sge, %get3A_456, %ge3A_458 : vector<16xi32>
    %sub3A_460 = arith.constant 499712 : i32
    %sub3A_461 = vector.broadcast %sub3A_460 : i32 to vector<16xi32>
    %sub3A_462 = arith.subi %get3A_456, %sub3A_461 : vector<16xi32>
    %select_n3A_463 = arith.select %ge3A_459, %sub3A_462, %get3A_456 : vector<16xi1>, vector<16xi32>
    %swap3A_464 = arith.constant 16 : index
    %swap3A_465 = tpu.vector_load %arg18[%swap3A_464] {strides = array<i32>} : memref<128xi32, #tpu.memory_space<vmem>>, vector<16xi32>,
    tpu.vector_store %arg18[%swap3A_464], %select_n3A_463 {strides = array<i32>} : memref<128xi32, #tpu.memory_space<vmem>>, vector<16xi32>,
    %jit3A_466 = arith.constant 64 : i32
    %jit3A_467 = arith.constant 0 : i32
    %broadcast_in_dim3A_468 = vector.broadcast %jit3A_466 : i32 to vector<16xi32>
    %broadcast_in_dim3A_469 = vector.broadcast %jit3A_467 : i32 to vector<16xi32>
    %select_n3A_470 = arith.select %ge3A_459, %broadcast_in_dim3A_468, %broadcast_in_dim3A_469 : vector<16xi1>, vector<16xi32>
    %swap3A_471 = arith.constant 16 : index
    %swap3A_472 = tpu.vector_load %arg9[%swap3A_471] {strides = array<i32>} : memref<128xi32, #tpu.memory_space<vmem>>, vector<16xi32>,
    tpu.vector_store %arg9[%swap3A_471], %select_n3A_470 {strides = array<i32>} : memref<128xi32, #tpu.memory_space<vmem>>, vector<16xi32>,
    %get3A_473 = arith.constant 32 : index
    %get3A_474 = tpu.vector_load %arg24[%get3A_473] {strides = array<i32>} : memref<128xi32, #tpu.memory_space<vmem>>, vector<16xi32>,
    %ge3A_475 = arith.constant 499712 : i32
    %ge3A_476 = vector.broadcast %ge3A_475 : i32 to vector<16xi32>
    %ge3A_477 = arith.cmpi sge, %get3A_474, %ge3A_476 : vector<16xi32>
    %sub3A_478 = arith.constant 499712 : i32
    %sub3A_479 = vector.broadcast %sub3A_478 : i32 to vector<16xi32>
    %sub3A_480 = arith.subi %get3A_474, %sub3A_479 : vector<16xi32>
    %select_n3A_481 = arith.select %ge3A_477, %sub3A_480, %get3A_474 : vector<16xi1>, vector<16xi32>
    %swap3A_482 = arith.constant 32 : index
    %swap3A_483 = tpu.vector_load %arg18[%swap3A_482] {strides = array<i32>} : memref<128xi32, #tpu.memory_space<vmem>>, vector<16xi32>,
    tpu.vector_store %arg18[%swap3A_482], %select_n3A_481 {strides = array<i32>} : memref<128xi32, #tpu.memory_space<vmem>>, vector<16xi32>,
    %jit3A_484 = arith.constant 64 : i32
    %jit3A_485 = arith.constant 0 : i32
    %broadcast_in_dim3A_486 = vector.broadcast %jit3A_484 : i32 to vector<16xi32>
    %broadcast_in_dim3A_487 = vector.broadcast %jit3A_485 : i32 to vector<16xi32>
    %select_n3A_488 = arith.select %ge3A_477, %broadcast_in_dim3A_486, %broadcast_in_dim3A_487 : vector<16xi1>, vector<16xi32>
    %swap3A_489 = arith.constant 32 : index
    %swap3A_490 = tpu.vector_load %arg9[%swap3A_489] {strides = array<i32>} : memref<128xi32, #tpu.memory_space<vmem>>, vector<16xi32>,
    tpu.vector_store %arg9[%swap3A_489], %select_n3A_488 {strides = array<i32>} : memref<128xi32, #tpu.memory_space<vmem>>, vector<16xi32>,
    %get3A_491 = arith.constant 48 : index
    %get3A_492 = tpu.vector_load %arg24[%get3A_491] {strides = array<i32>} : memref<128xi32, #tpu.memory_space<vmem>>, vector<16xi32>,
    %ge3A_493 = arith.constant 499712 : i32
    %ge3A_494 = vector.broadcast %ge3A_493 : i32 to vector<16xi32>
    %ge3A_495 = arith.cmpi sge, %get3A_492, %ge3A_494 : vector<16xi32>
    %sub3A_496 = arith.constant 499712 : i32
    %sub3A_497 = vector.broadcast %sub3A_496 : i32 to vector<16xi32>
    %sub3A_498 = arith.subi %get3A_492, %sub3A_497 : vector<16xi32>
    %select_n3A_499 = arith.select %ge3A_495, %sub3A_498, %get3A_492 : vector<16xi1>, vector<16xi32>
    %swap3A_500 = arith.constant 48 : index
    %swap3A_501 = tpu.vector_load %arg18[%swap3A_500] {strides = array<i32>} : memref<128xi32, #tpu.memory_space<vmem>>, vector<16xi32>,
    tpu.vector_store %arg18[%swap3A_500], %select_n3A_499 {strides = array<i32>} : memref<128xi32, #tpu.memory_space<vmem>>, vector<16xi32>,
    %jit3A_502 = arith.constant 64 : i32
    %jit3A_503 = arith.constant 0 : i32
    %broadcast_in_dim3A_504 = vector.broadcast %jit3A_502 : i32 to vector<16xi32>
    %broadcast_in_dim3A_505 = vector.broadcast %jit3A_503 : i32 to vector<16xi32>
    %select_n3A_506 = arith.select %ge3A_495, %broadcast_in_dim3A_504, %broadcast_in_dim3A_505 : vector<16xi1>, vector<16xi32>
    %swap3A_507 = arith.constant 48 : index
    %swap3A_508 = tpu.vector_load %arg9[%swap3A_507] {strides = array<i32>} : memref<128xi32, #tpu.memory_space<vmem>>, vector<16xi32>,
    tpu.vector_store %arg9[%swap3A_507], %select_n3A_506 {strides = array<i32>} : memref<128xi32, #tpu.memory_space<vmem>>, vector<16xi32>,
    %get3A_509 = arith.constant 64 : index
    %get3A_510 = tpu.vector_load %arg24[%get3A_509] {strides = array<i32>} : memref<128xi32, #tpu.memory_space<vmem>>, vector<16xi32>,
    %ge3A_511 = arith.constant 499712 : i32
    %ge3A_512 = vector.broadcast %ge3A_511 : i32 to vector<16xi32>
    %ge3A_513 = arith.cmpi sge, %get3A_510, %ge3A_512 : vector<16xi32>
    %sub3A_514 = arith.constant 499712 : i32
    %sub3A_515 = vector.broadcast %sub3A_514 : i32 to vector<16xi32>
    %sub3A_516 = arith.subi %get3A_510, %sub3A_515 : vector<16xi32>
    %select_n3A_517 = arith.select %ge3A_513, %sub3A_516, %get3A_510 : vector<16xi1>, vector<16xi32>
    %swap3A_518 = arith.constant 64 : index
    %swap3A_519 = tpu.vector_load %arg18[%swap3A_518] {strides = array<i32>} : memref<128xi32, #tpu.memory_space<vmem>>, vector<16xi32>,
    tpu.vector_store %arg18[%swap3A_518], %select_n3A_517 {strides = array<i32>} : memref<128xi32, #tpu.memory_space<vmem>>, vector<16xi32>,
    %jit3A_520 = arith.constant 64 : i32
    %jit3A_521 = arith.constant 0 : i32
    %broadcast_in_dim3A_522 = vector.broadcast %jit3A_520 : i32 to vector<16xi32>
    %broadcast_in_dim3A_523 = vector.broadcast %jit3A_521 : i32 to vector<16xi32>
    %select_n3A_524 = arith.select %ge3A_513, %broadcast_in_dim3A_522, %broadcast_in_dim3A_523 : vector<16xi1>, vector<16xi32>
    %swap3A_525 = arith.constant 64 : index
    %swap3A_526 = tpu.vector_load %arg9[%swap3A_525] {strides = array<i32>} : memref<128xi32, #tpu.memory_space<vmem>>, vector<16xi32>,
    tpu.vector_store %arg9[%swap3A_525], %select_n3A_524 {strides = array<i32>} : memref<128xi32, #tpu.memory_space<vmem>>, vector<16xi32>,
    %get3A_527 = arith.constant 80 : index
    %get3A_528 = tpu.vector_load %arg24[%get3A_527] {strides = array<i32>} : memref<128xi32, #tpu.memory_space<vmem>>, vector<16xi32>,
    %ge3A_529 = arith.constant 499712 : i32
    %ge3A_530 = vector.broadcast %ge3A_529 : i32 to vector<16xi32>
    %ge3A_531 = arith.cmpi sge, %get3A_528, %ge3A_530 : vector<16xi32>
    %sub3A_532 = arith.constant 499712 : i32
    %sub3A_533 = vector.broadcast %sub3A_532 : i32 to vector<16xi32>
    %sub3A_534 = arith.subi %get3A_528, %sub3A_533 : vector<16xi32>
    %select_n3A_535 = arith.select %ge3A_531, %sub3A_534, %get3A_528 : vector<16xi1>, vector<16xi32>
    %swap3A_536 = arith.constant 80 : index
    %swap3A_537 = tpu.vector_load %arg18[%swap3A_536] {strides = array<i32>} : memref<128xi32, #tpu.memory_space<vmem>>, vector<16xi32>,
    tpu.vector_store %arg18[%swap3A_536], %select_n3A_535 {strides = array<i32>} : memref<128xi32, #tpu.memory_space<vmem>>, vector<16xi32>,
    %jit3A_538 = arith.constant 64 : i32
    %jit3A_539 = arith.constant 0 : i32
    %broadcast_in_dim3A_540 = vector.broadcast %jit3A_538 : i32 to vector<16xi32>
    %broadcast_in_dim3A_541 = vector.broadcast %jit3A_539 : i32 to vector<16xi32>
    %select_n3A_542 = arith.select %ge3A_531, %broadcast_in_dim3A_540, %broadcast_in_dim3A_541 : vector<16xi1>, vector<16xi32>
    %swap3A_543 = arith.constant 80 : index
    %swap3A_544 = tpu.vector_load %arg9[%swap3A_543] {strides = array<i32>} : memref<128xi32, #tpu.memory_space<vmem>>, vector<16xi32>,
    tpu.vector_store %arg9[%swap3A_543], %select_n3A_542 {strides = array<i32>} : memref<128xi32, #tpu.memory_space<vmem>>, vector<16xi32>,
    %get3A_545 = arith.constant 96 : index
    %get3A_546 = tpu.vector_load %arg24[%get3A_545] {strides = array<i32>} : memref<128xi32, #tpu.memory_space<vmem>>, vector<16xi32>,
    %ge3A_547 = arith.constant 499712 : i32
    %ge3A_548 = vector.broadcast %ge3A_547 : i32 to vector<16xi32>
    %ge3A_549 = arith.cmpi sge, %get3A_546, %ge3A_548 : vector<16xi32>
    %sub3A_550 = arith.constant 499712 : i32
    %sub3A_551 = vector.broadcast %sub3A_550 : i32 to vector<16xi32>
    %sub3A_552 = arith.subi %get3A_546, %sub3A_551 : vector<16xi32>
    %select_n3A_553 = arith.select %ge3A_549, %sub3A_552, %get3A_546 : vector<16xi1>, vector<16xi32>
    %swap3A_554 = arith.constant 96 : index
    %swap3A_555 = tpu.vector_load %arg18[%swap3A_554] {strides = array<i32>} : memref<128xi32, #tpu.memory_space<vmem>>, vector<16xi32>,
    tpu.vector_store %arg18[%swap3A_554], %select_n3A_553 {strides = array<i32>} : memref<128xi32, #tpu.memory_space<vmem>>, vector<16xi32>,
    %jit3A_556 = arith.constant 64 : i32
    %jit3A_557 = arith.constant 0 : i32
    %broadcast_in_dim3A_558 = vector.broadcast %jit3A_556 : i32 to vector<16xi32>
    %broadcast_in_dim3A_559 = vector.broadcast %jit3A_557 : i32 to vector<16xi32>
    %select_n3A_560 = arith.select %ge3A_549, %broadcast_in_dim3A_558, %broadcast_in_dim3A_559 : vector<16xi1>, vector<16xi32>
    %swap3A_561 = arith.constant 96 : index
    %swap3A_562 = tpu.vector_load %arg9[%swap3A_561] {strides = array<i32>} : memref<128xi32, #tpu.memory_space<vmem>>, vector<16xi32>,
    tpu.vector_store %arg9[%swap3A_561], %select_n3A_560 {strides = array<i32>} : memref<128xi32, #tpu.memory_space<vmem>>, vector<16xi32>,
    %get3A_563 = arith.constant 112 : index
    %get3A_564 = tpu.vector_load %arg24[%get3A_563] {strides = array<i32>} : memref<128xi32, #tpu.memory_space<vmem>>, vector<16xi32>,
    %ge3A_565 = arith.constant 499712 : i32
    %ge3A_566 = vector.broadcast %ge3A_565 : i32 to vector<16xi32>
    %ge3A_567 = arith.cmpi sge, %get3A_564, %ge3A_566 : vector<16xi32>
    %sub3A_568 = arith.constant 499712 : i32
    %sub3A_569 = vector.broadcast %sub3A_568 : i32 to vector<16xi32>
    %sub3A_570 = arith.subi %get3A_564, %sub3A_569 : vector<16xi32>
    %select_n3A_571 = arith.select %ge3A_567, %sub3A_570, %get3A_564 : vector<16xi1>, vector<16xi32>
    %swap3A_572 = arith.constant 112 : index
    %swap3A_573 = tpu.vector_load %arg18[%swap3A_572] {strides = array<i32>} : memref<128xi32, #tpu.memory_space<vmem>>, vector<16xi32>,
    tpu.vector_store %arg18[%swap3A_572], %select_n3A_571 {strides = array<i32>} : memref<128xi32, #tpu.memory_space<vmem>>, vector<16xi32>,
    %jit3A_574 = arith.constant 64 : i32
    %jit3A_575 = arith.constant 0 : i32
    %broadcast_in_dim3A_576 = vector.broadcast %jit3A_574 : i32 to vector<16xi32>
    %broadcast_in_dim3A_577 = vector.broadcast %jit3A_575 : i32 to vector<16xi32>
    %select_n3A_578 = arith.select %ge3A_567, %broadcast_in_dim3A_576, %broadcast_in_dim3A_577 : vector<16xi1>, vector<16xi32>
    %swap3A_579 = arith.constant 112 : index
    %swap3A_580 = tpu.vector_load %arg9[%swap3A_579] {strides = array<i32>} : memref<128xi32, #tpu.memory_space<vmem>>, vector<16xi32>,
    tpu.vector_store %arg9[%swap3A_579], %select_n3A_578 {strides = array<i32>} : memref<128xi32, #tpu.memory_space<vmem>>, vector<16xi32>,
    %dma_start3A_581 = arith.constant 0 : i32
    %dma_start3A_582 = arith.constant 0 : i32
    %dma_start3A_583 = tpu.memref_slice %arg4[%dma_start3A_581, %dma_start3A_582] : memref<503808x128xf32, #tpu.memory_space<hbm>> -> memref<503808x128xf32, #tpu.memory_space<hbm>>
    tpu.enqueue_indirect_dma source(%dma_start3A_583 : memref<503808x128xf32, #tpu.memory_space<hbm>>) target(%arg11 : memref<128x128xf32, #tpu.memory_space<vmem>>) offsets(%arg16 : memref<128xi32, #tpu.memory_space<vmem>>) semaphore(%arg20 : memref<!tpu.dma_semaphore, #tpu.memory_space<semaphore_mem>>)
    %dma_start3A_584 = arith.constant 0 : i32
    %dma_start3A_585 = arith.constant 0 : i32
    %dma_start3A_586 = tpu.memref_slice %arg4[%dma_start3A_584, %dma_start3A_585] : memref<503808x128xf32, #tpu.memory_space<hbm>> -> memref<503808x128xf32, #tpu.memory_space<hbm>>
    tpu.enqueue_indirect_dma source(%dma_start3A_586 : memref<503808x128xf32, #tpu.memory_space<hbm>>) target(%arg13 : memref<128x128xf32, #tpu.memory_space<vmem>>) offsets(%arg18 : memref<128xi32, #tpu.memory_space<vmem>>) semaphore(%arg20 : memref<!tpu.dma_semaphore, #tpu.memory_space<semaphore_mem>>)
    %dma_wait3A = arith.constant 0 : i32
    %dma_wait3A_587 = arith.constant 0 : i32
    %dma_wait3A_588 = tpu.memref_slice %arg4[%dma_wait3A, %dma_wait3A_587] : memref<503808x128xf32, #tpu.memory_space<hbm>> -> memref<503808x128xf32, #tpu.memory_space<hbm>>
    tpu.wait_indirect_dma semaphore(%arg19 : memref<!tpu.dma_semaphore, #tpu.memory_space<semaphore_mem>>) src(%dma_wait3A_588 : memref<503808x128xf32, #tpu.memory_space<hbm>>) dst(%arg10 : memref<128x128xf32, #tpu.memory_space<vmem>>)
    %dma_wait3A_589 = arith.constant 0 : i32
    %dma_wait3A_590 = arith.constant 0 : i32
    %dma_wait3A_591 = tpu.memref_slice %arg4[%dma_wait3A_589, %dma_wait3A_590] : memref<503808x128xf32, #tpu.memory_space<hbm>> -> memref<503808x128xf32, #tpu.memory_space<hbm>>
    tpu.wait_indirect_dma semaphore(%arg19 : memref<!tpu.dma_semaphore, #tpu.memory_space<semaphore_mem>>) src(%dma_wait3A_591 : memref<503808x128xf32, #tpu.memory_space<hbm>>) dst(%arg12 : memref<128x128xf32, #tpu.memory_space<vmem>>)
    %scan3A = arith.constant 0 : i32
    %scan3A_592 = arith.constant 0 : i32
    %scan3A_593 = arith.constant 8 : i32
    %scan3A_594 = arith.addi %scan3A_592, %scan3A_593 : i32
    %scan3A_595 = arith.constant 1 : i32
    %scan3A_596 = scf.for %scan3A_1229 = %scan3A_592 to %scan3A_594 step %scan3A_595 iter_args(%scan3A_1230 = %scan3A) -> (i32)  : i32 {
      %iota3A = tpu.iota {dimensions = array<i32: 0>} : vector<16xi32>
      %mul3A_1231 = arith.constant 16 : i32
      %mul3A_1232 = arith.muli %scan3A_1229, %mul3A_1231 : i32
      %add3A_1233 = vector.broadcast %mul3A_1232 : i32 to vector<16xi32>
      %add3A_1234 = arith.addi %iota3A, %add3A_1233 : vector<16xi32>
      %mul3A_1235 = arith.constant 16 : i32
      %mul3A_1236 = arith.muli %scan3A_1229, %mul3A_1235 : i32
      %get3A_1237 = arith.index_cast %mul3A_1236 : i32 to index
      %get3A_1238 = tpu.vector_load %arg6[%get3A_1237] {strides = array<i32>} : memref<128xi32, #tpu.memory_space<vmem>>, vector<16xi32>,
      %mul3A_1239 = arith.constant 16 : i32
      %mul3A_1240 = arith.muli %scan3A_1229, %mul3A_1239 : i32
      %get3A_1241 = arith.index_cast %mul3A_1240 : i32 to index
      %get3A_1242 = tpu.vector_load %arg8[%get3A_1241] {strides = array<i32>} : memref<128xi32, #tpu.memory_space<vmem>>, vector<16xi32>,
      %broadcast_in_dim3A_1243 = arith.constant 0.000000e+00 : f32
      %broadcast_in_dim3A_1244 = vector.broadcast %broadcast_in_dim3A_1243 : f32 to vector<16xf32>
      %scan3A_1245 = arith.constant 0 : i32
      %scan3A_1246 = arith.constant 64 : i32
      %scan3A_1247 = arith.addi %scan3A_1245, %scan3A_1246 : i32
      %scan3A_1248 = arith.constant 1 : i32
      %scan3A_1249 = scf.for %scan3A_1263 = %scan3A_1245 to %scan3A_1247 step %scan3A_1248 iter_args(%scan3A_1264 = %broadcast_in_dim3A_1244) -> (vector<16xf32>)  : i32 {
        %add3A_1265 = vector.broadcast %scan3A_1263 : i32 to vector<16xi32>
        %add3A_1266 = arith.addi %get3A_1238, %add3A_1265 : vector<16xi32>
        %gather3A = tpu.vector_load_idx %arg10[%add3A_1234, %add3A_1266] : memref<128x128xf32, #tpu.memory_space<vmem>>[vector<16xi32>, vector<16xi32>], vector<16xf32>,
        %add3A_1267 = vector.broadcast %scan3A_1263 : i32 to vector<16xi32>
        %add3A_1268 = arith.addi %get3A_1242, %add3A_1267 : vector<16xi32>
        %gather3A_1269 = tpu.vector_load_idx %arg12[%add3A_1234, %add3A_1268] : memref<128x128xf32, #tpu.memory_space<vmem>>[vector<16xi32>, vector<16xi32>], vector<16xf32>,
        %mul3A_1270 = arith.mulf %gather3A, %gather3A_1269 : vector<16xf32>
        %add3A_1271 = arith.addf %scan3A_1264, %mul3A_1270 : vector<16xf32>
        scf.yield %add3A_1271 : vector<16xf32>
      }
      %scan3A_1250 = arith.constant 64 : i32
      %neg3A = arith.constant 0.000000e+00 : f32
      %neg3A_1251 = vector.broadcast %neg3A : f32 to vector<16xf32>
      %neg3A_1252 = arith.subf %neg3A_1251, %scan3A_1249 : vector<16xf32>
      %exp3A = math.exp %neg3A_1252 : vector<16xf32>
      %add3A_1253 = arith.constant 1.000000e+00 : f32
      %add3A_1254 = vector.broadcast %add3A_1253 : f32 to vector<16xf32>
      %add3A_1255 = arith.addf %add3A_1254, %exp3A : vector<16xf32>
      %div3A = arith.divf %exp3A, %add3A_1255 : vector<16xf32>
      %mul3A_1256 = arith.constant 16 : i32
      %mul3A_1257 = arith.muli %scan3A_1229, %mul3A_1256 : i32
      %add3A_1258 = arith.constant 0 : i32
      %add3A_1259 = arith.addi %add3A_1258, %mul3A_1257 : i32
      %swap3A_1260 = arith.index_cast %add3A_1259 : i32 to index
      %swap3A_1261 = tpu.vector_load %arg14[%swap3A_1260] {strides = array<i32>} : memref<512xf32, #tpu.memory_space<vmem>>, vector<16xf32>,
      tpu.vector_store %arg14[%swap3A_1260], %div3A {strides = array<i32>} : memref<512xf32, #tpu.memory_space<vmem>>, vector<16xf32>,
      %scan3A_1262 = arith.constant 0 : i32
      scf.yield %scan3A_1262 : i32
    }
    %scan3A_597 = arith.constant 8 : i32
    %add3A_598 = arith.constant 256 : i32
    %add3A_599 = arith.addi %mul3A_2, %add3A_598 : i32
    "tpu.region"() ({
      %run_scoped3A = tpu.sem_alloc : memref<!tpu.dma_semaphore, #tpu.memory_space<semaphore_mem>>
      %dma_start3A_1229 = tpu.memref_slice %arg2[%add3A_599] : memref<16384xi32, #tpu.memory_space<hbm>> -> memref<128xi32, #tpu.memory_space<hbm>>
      %dma_start3A_1230 = tpu.memref_slice %arg2[%add3A_599] : memref<16384xi32, #tpu.memory_space<hbm>> -> memref<128xi32, #tpu.memory_space<hbm>>
      tpu.enqueue_dma source(%dma_start3A_1230 : memref<128xi32, #tpu.memory_space<hbm>>) target(%arg21 : memref<128xi32, #tpu.memory_space<vmem>>) target_semaphore(%run_scoped3A : memref<!tpu.dma_semaphore, #tpu.memory_space<semaphore_mem>>)
      %dma_wait3A_1231 = tpu.memref_slice %arg2[%add3A_599] : memref<16384xi32, #tpu.memory_space<hbm>> -> memref<128xi32, #tpu.memory_space<hbm>>
      %dma_wait3A_1232 = tpu.memref_slice %arg2[%add3A_599] : memref<16384xi32, #tpu.memory_space<hbm>> -> memref<128xi32, #tpu.memory_space<hbm>>
      tpu.wait_dma2 semaphore(%run_scoped3A : memref<!tpu.dma_semaphore, #tpu.memory_space<semaphore_mem>>) src(%dma_wait3A_1232 : memref<128xi32, #tpu.memory_space<hbm>>) dst(%arg21 : memref<128xi32, #tpu.memory_space<vmem>>)
      tpu.yield
    }) : () -> ()
    "tpu.region"() ({
      %run_scoped3A = tpu.sem_alloc : memref<!tpu.dma_semaphore, #tpu.memory_space<semaphore_mem>>
      %dma_start3A_1229 = tpu.memref_slice %arg3[%add3A_599] : memref<16384xi32, #tpu.memory_space<hbm>> -> memref<128xi32, #tpu.memory_space<hbm>>
      %dma_start3A_1230 = tpu.memref_slice %arg3[%add3A_599] : memref<16384xi32, #tpu.memory_space<hbm>> -> memref<128xi32, #tpu.memory_space<hbm>>
      tpu.enqueue_dma source(%dma_start3A_1230 : memref<128xi32, #tpu.memory_space<hbm>>) target(%arg23 : memref<128xi32, #tpu.memory_space<vmem>>) target_semaphore(%run_scoped3A : memref<!tpu.dma_semaphore, #tpu.memory_space<semaphore_mem>>)
      %dma_wait3A_1231 = tpu.memref_slice %arg3[%add3A_599] : memref<16384xi32, #tpu.memory_space<hbm>> -> memref<128xi32, #tpu.memory_space<hbm>>
      %dma_wait3A_1232 = tpu.memref_slice %arg3[%add3A_599] : memref<16384xi32, #tpu.memory_space<hbm>> -> memref<128xi32, #tpu.memory_space<hbm>>
      tpu.wait_dma2 semaphore(%run_scoped3A : memref<!tpu.dma_semaphore, #tpu.memory_space<semaphore_mem>>) src(%dma_wait3A_1232 : memref<128xi32, #tpu.memory_space<hbm>>) dst(%arg23 : memref<128xi32, #tpu.memory_space<vmem>>)
      tpu.yield
    }) : () -> ()
    %get3A_600 = arith.constant 0 : index
    %get3A_601 = tpu.vector_load %arg21[%get3A_600] {strides = array<i32>} : memref<128xi32, #tpu.memory_space<vmem>>, vector<16xi32>,
    %ge3A_602 = arith.constant 499712 : i32
    %ge3A_603 = vector.broadcast %ge3A_602 : i32 to vector<16xi32>
    %ge3A_604 = arith.cmpi sge, %get3A_601, %ge3A_603 : vector<16xi32>
    %sub3A_605 = arith.constant 499712 : i32
    %sub3A_606 = vector.broadcast %sub3A_605 : i32 to vector<16xi32>
    %sub3A_607 = arith.subi %get3A_601, %sub3A_606 : vector<16xi32>
    %select_n3A_608 = arith.select %ge3A_604, %sub3A_607, %get3A_601 : vector<16xi1>, vector<16xi32>
    %swap3A_609 = arith.constant 0 : index
    %swap3A_610 = tpu.vector_load %arg15[%swap3A_609] {strides = array<i32>} : memref<128xi32, #tpu.memory_space<vmem>>, vector<16xi32>,
    tpu.vector_store %arg15[%swap3A_609], %select_n3A_608 {strides = array<i32>} : memref<128xi32, #tpu.memory_space<vmem>>, vector<16xi32>,
    %jit3A_611 = arith.constant 64 : i32
    %jit3A_612 = arith.constant 0 : i32
    %broadcast_in_dim3A_613 = vector.broadcast %jit3A_611 : i32 to vector<16xi32>
    %broadcast_in_dim3A_614 = vector.broadcast %jit3A_612 : i32 to vector<16xi32>
    %select_n3A_615 = arith.select %ge3A_604, %broadcast_in_dim3A_613, %broadcast_in_dim3A_614 : vector<16xi1>, vector<16xi32>
    %swap3A_616 = arith.constant 0 : index
    %swap3A_617 = tpu.vector_load %arg6[%swap3A_616] {strides = array<i32>} : memref<128xi32, #tpu.memory_space<vmem>>, vector<16xi32>,
    tpu.vector_store %arg6[%swap3A_616], %select_n3A_615 {strides = array<i32>} : memref<128xi32, #tpu.memory_space<vmem>>, vector<16xi32>,
    %get3A_618 = arith.constant 16 : index
    %get3A_619 = tpu.vector_load %arg21[%get3A_618] {strides = array<i32>} : memref<128xi32, #tpu.memory_space<vmem>>, vector<16xi32>,
    %ge3A_620 = arith.constant 499712 : i32
    %ge3A_621 = vector.broadcast %ge3A_620 : i32 to vector<16xi32>
    %ge3A_622 = arith.cmpi sge, %get3A_619, %ge3A_621 : vector<16xi32>
    %sub3A_623 = arith.constant 499712 : i32
    %sub3A_624 = vector.broadcast %sub3A_623 : i32 to vector<16xi32>
    %sub3A_625 = arith.subi %get3A_619, %sub3A_624 : vector<16xi32>
    %select_n3A_626 = arith.select %ge3A_622, %sub3A_625, %get3A_619 : vector<16xi1>, vector<16xi32>
    %swap3A_627 = arith.constant 16 : index
    %swap3A_628 = tpu.vector_load %arg15[%swap3A_627] {strides = array<i32>} : memref<128xi32, #tpu.memory_space<vmem>>, vector<16xi32>,
    tpu.vector_store %arg15[%swap3A_627], %select_n3A_626 {strides = array<i32>} : memref<128xi32, #tpu.memory_space<vmem>>, vector<16xi32>,
    %jit3A_629 = arith.constant 64 : i32
    %jit3A_630 = arith.constant 0 : i32
    %broadcast_in_dim3A_631 = vector.broadcast %jit3A_629 : i32 to vector<16xi32>
    %broadcast_in_dim3A_632 = vector.broadcast %jit3A_630 : i32 to vector<16xi32>
    %select_n3A_633 = arith.select %ge3A_622, %broadcast_in_dim3A_631, %broadcast_in_dim3A_632 : vector<16xi1>, vector<16xi32>
    %swap3A_634 = arith.constant 16 : index
    %swap3A_635 = tpu.vector_load %arg6[%swap3A_634] {strides = array<i32>} : memref<128xi32, #tpu.memory_space<vmem>>, vector<16xi32>,
    tpu.vector_store %arg6[%swap3A_634], %select_n3A_633 {strides = array<i32>} : memref<128xi32, #tpu.memory_space<vmem>>, vector<16xi32>,
    %get3A_636 = arith.constant 32 : index
    %get3A_637 = tpu.vector_load %arg21[%get3A_636] {strides = array<i32>} : memref<128xi32, #tpu.memory_space<vmem>>, vector<16xi32>,
    %ge3A_638 = arith.constant 499712 : i32
    %ge3A_639 = vector.broadcast %ge3A_638 : i32 to vector<16xi32>
    %ge3A_640 = arith.cmpi sge, %get3A_637, %ge3A_639 : vector<16xi32>
    %sub3A_641 = arith.constant 499712 : i32
    %sub3A_642 = vector.broadcast %sub3A_641 : i32 to vector<16xi32>
    %sub3A_643 = arith.subi %get3A_637, %sub3A_642 : vector<16xi32>
    %select_n3A_644 = arith.select %ge3A_640, %sub3A_643, %get3A_637 : vector<16xi1>, vector<16xi32>
    %swap3A_645 = arith.constant 32 : index
    %swap3A_646 = tpu.vector_load %arg15[%swap3A_645] {strides = array<i32>} : memref<128xi32, #tpu.memory_space<vmem>>, vector<16xi32>,
    tpu.vector_store %arg15[%swap3A_645], %select_n3A_644 {strides = array<i32>} : memref<128xi32, #tpu.memory_space<vmem>>, vector<16xi32>,
    %jit3A_647 = arith.constant 64 : i32
    %jit3A_648 = arith.constant 0 : i32
    %broadcast_in_dim3A_649 = vector.broadcast %jit3A_647 : i32 to vector<16xi32>
    %broadcast_in_dim3A_650 = vector.broadcast %jit3A_648 : i32 to vector<16xi32>
    %select_n3A_651 = arith.select %ge3A_640, %broadcast_in_dim3A_649, %broadcast_in_dim3A_650 : vector<16xi1>, vector<16xi32>
    %swap3A_652 = arith.constant 32 : index
    %swap3A_653 = tpu.vector_load %arg6[%swap3A_652] {strides = array<i32>} : memref<128xi32, #tpu.memory_space<vmem>>, vector<16xi32>,
    tpu.vector_store %arg6[%swap3A_652], %select_n3A_651 {strides = array<i32>} : memref<128xi32, #tpu.memory_space<vmem>>, vector<16xi32>,
    %get3A_654 = arith.constant 48 : index
    %get3A_655 = tpu.vector_load %arg21[%get3A_654] {strides = array<i32>} : memref<128xi32, #tpu.memory_space<vmem>>, vector<16xi32>,
    %ge3A_656 = arith.constant 499712 : i32
    %ge3A_657 = vector.broadcast %ge3A_656 : i32 to vector<16xi32>
    %ge3A_658 = arith.cmpi sge, %get3A_655, %ge3A_657 : vector<16xi32>
    %sub3A_659 = arith.constant 499712 : i32
    %sub3A_660 = vector.broadcast %sub3A_659 : i32 to vector<16xi32>
    %sub3A_661 = arith.subi %get3A_655, %sub3A_660 : vector<16xi32>
    %select_n3A_662 = arith.select %ge3A_658, %sub3A_661, %get3A_655 : vector<16xi1>, vector<16xi32>
    %swap3A_663 = arith.constant 48 : index
    %swap3A_664 = tpu.vector_load %arg15[%swap3A_663] {strides = array<i32>} : memref<128xi32, #tpu.memory_space<vmem>>, vector<16xi32>,
    tpu.vector_store %arg15[%swap3A_663], %select_n3A_662 {strides = array<i32>} : memref<128xi32, #tpu.memory_space<vmem>>, vector<16xi32>,
    %jit3A_665 = arith.constant 64 : i32
    %jit3A_666 = arith.constant 0 : i32
    %broadcast_in_dim3A_667 = vector.broadcast %jit3A_665 : i32 to vector<16xi32>
    %broadcast_in_dim3A_668 = vector.broadcast %jit3A_666 : i32 to vector<16xi32>
    %select_n3A_669 = arith.select %ge3A_658, %broadcast_in_dim3A_667, %broadcast_in_dim3A_668 : vector<16xi1>, vector<16xi32>
    %swap3A_670 = arith.constant 48 : index
    %swap3A_671 = tpu.vector_load %arg6[%swap3A_670] {strides = array<i32>} : memref<128xi32, #tpu.memory_space<vmem>>, vector<16xi32>,
    tpu.vector_store %arg6[%swap3A_670], %select_n3A_669 {strides = array<i32>} : memref<128xi32, #tpu.memory_space<vmem>>, vector<16xi32>,
    %get3A_672 = arith.constant 64 : index
    %get3A_673 = tpu.vector_load %arg21[%get3A_672] {strides = array<i32>} : memref<128xi32, #tpu.memory_space<vmem>>, vector<16xi32>,
    %ge3A_674 = arith.constant 499712 : i32
    %ge3A_675 = vector.broadcast %ge3A_674 : i32 to vector<16xi32>
    %ge3A_676 = arith.cmpi sge, %get3A_673, %ge3A_675 : vector<16xi32>
    %sub3A_677 = arith.constant 499712 : i32
    %sub3A_678 = vector.broadcast %sub3A_677 : i32 to vector<16xi32>
    %sub3A_679 = arith.subi %get3A_673, %sub3A_678 : vector<16xi32>
    %select_n3A_680 = arith.select %ge3A_676, %sub3A_679, %get3A_673 : vector<16xi1>, vector<16xi32>
    %swap3A_681 = arith.constant 64 : index
    %swap3A_682 = tpu.vector_load %arg15[%swap3A_681] {strides = array<i32>} : memref<128xi32, #tpu.memory_space<vmem>>, vector<16xi32>,
    tpu.vector_store %arg15[%swap3A_681], %select_n3A_680 {strides = array<i32>} : memref<128xi32, #tpu.memory_space<vmem>>, vector<16xi32>,
    %jit3A_683 = arith.constant 64 : i32
    %jit3A_684 = arith.constant 0 : i32
    %broadcast_in_dim3A_685 = vector.broadcast %jit3A_683 : i32 to vector<16xi32>
    %broadcast_in_dim3A_686 = vector.broadcast %jit3A_684 : i32 to vector<16xi32>
    %select_n3A_687 = arith.select %ge3A_676, %broadcast_in_dim3A_685, %broadcast_in_dim3A_686 : vector<16xi1>, vector<16xi32>
    %swap3A_688 = arith.constant 64 : index
    %swap3A_689 = tpu.vector_load %arg6[%swap3A_688] {strides = array<i32>} : memref<128xi32, #tpu.memory_space<vmem>>, vector<16xi32>,
    tpu.vector_store %arg6[%swap3A_688], %select_n3A_687 {strides = array<i32>} : memref<128xi32, #tpu.memory_space<vmem>>, vector<16xi32>,
    %get3A_690 = arith.constant 80 : index
    %get3A_691 = tpu.vector_load %arg21[%get3A_690] {strides = array<i32>} : memref<128xi32, #tpu.memory_space<vmem>>, vector<16xi32>,
    %ge3A_692 = arith.constant 499712 : i32
    %ge3A_693 = vector.broadcast %ge3A_692 : i32 to vector<16xi32>
    %ge3A_694 = arith.cmpi sge, %get3A_691, %ge3A_693 : vector<16xi32>
    %sub3A_695 = arith.constant 499712 : i32
    %sub3A_696 = vector.broadcast %sub3A_695 : i32 to vector<16xi32>
    %sub3A_697 = arith.subi %get3A_691, %sub3A_696 : vector<16xi32>
    %select_n3A_698 = arith.select %ge3A_694, %sub3A_697, %get3A_691 : vector<16xi1>, vector<16xi32>
    %swap3A_699 = arith.constant 80 : index
    %swap3A_700 = tpu.vector_load %arg15[%swap3A_699] {strides = array<i32>} : memref<128xi32, #tpu.memory_space<vmem>>, vector<16xi32>,
    tpu.vector_store %arg15[%swap3A_699], %select_n3A_698 {strides = array<i32>} : memref<128xi32, #tpu.memory_space<vmem>>, vector<16xi32>,
    %jit3A_701 = arith.constant 64 : i32
    %jit3A_702 = arith.constant 0 : i32
    %broadcast_in_dim3A_703 = vector.broadcast %jit3A_701 : i32 to vector<16xi32>
    %broadcast_in_dim3A_704 = vector.broadcast %jit3A_702 : i32 to vector<16xi32>
    %select_n3A_705 = arith.select %ge3A_694, %broadcast_in_dim3A_703, %broadcast_in_dim3A_704 : vector<16xi1>, vector<16xi32>
    %swap3A_706 = arith.constant 80 : index
    %swap3A_707 = tpu.vector_load %arg6[%swap3A_706] {strides = array<i32>} : memref<128xi32, #tpu.memory_space<vmem>>, vector<16xi32>,
    tpu.vector_store %arg6[%swap3A_706], %select_n3A_705 {strides = array<i32>} : memref<128xi32, #tpu.memory_space<vmem>>, vector<16xi32>,
    %get3A_708 = arith.constant 96 : index
    %get3A_709 = tpu.vector_load %arg21[%get3A_708] {strides = array<i32>} : memref<128xi32, #tpu.memory_space<vmem>>, vector<16xi32>,
    %ge3A_710 = arith.constant 499712 : i32
    %ge3A_711 = vector.broadcast %ge3A_710 : i32 to vector<16xi32>
    %ge3A_712 = arith.cmpi sge, %get3A_709, %ge3A_711 : vector<16xi32>
    %sub3A_713 = arith.constant 499712 : i32
    %sub3A_714 = vector.broadcast %sub3A_713 : i32 to vector<16xi32>
    %sub3A_715 = arith.subi %get3A_709, %sub3A_714 : vector<16xi32>
    %select_n3A_716 = arith.select %ge3A_712, %sub3A_715, %get3A_709 : vector<16xi1>, vector<16xi32>
    %swap3A_717 = arith.constant 96 : index
    %swap3A_718 = tpu.vector_load %arg15[%swap3A_717] {strides = array<i32>} : memref<128xi32, #tpu.memory_space<vmem>>, vector<16xi32>,
    tpu.vector_store %arg15[%swap3A_717], %select_n3A_716 {strides = array<i32>} : memref<128xi32, #tpu.memory_space<vmem>>, vector<16xi32>,
    %jit3A_719 = arith.constant 64 : i32
    %jit3A_720 = arith.constant 0 : i32
    %broadcast_in_dim3A_721 = vector.broadcast %jit3A_719 : i32 to vector<16xi32>
    %broadcast_in_dim3A_722 = vector.broadcast %jit3A_720 : i32 to vector<16xi32>
    %select_n3A_723 = arith.select %ge3A_712, %broadcast_in_dim3A_721, %broadcast_in_dim3A_722 : vector<16xi1>, vector<16xi32>
    %swap3A_724 = arith.constant 96 : index
    %swap3A_725 = tpu.vector_load %arg6[%swap3A_724] {strides = array<i32>} : memref<128xi32, #tpu.memory_space<vmem>>, vector<16xi32>,
    tpu.vector_store %arg6[%swap3A_724], %select_n3A_723 {strides = array<i32>} : memref<128xi32, #tpu.memory_space<vmem>>, vector<16xi32>,
    %get3A_726 = arith.constant 112 : index
    %get3A_727 = tpu.vector_load %arg21[%get3A_726] {strides = array<i32>} : memref<128xi32, #tpu.memory_space<vmem>>, vector<16xi32>,
    %ge3A_728 = arith.constant 499712 : i32
    %ge3A_729 = vector.broadcast %ge3A_728 : i32 to vector<16xi32>
    %ge3A_730 = arith.cmpi sge, %get3A_727, %ge3A_729 : vector<16xi32>
    %sub3A_731 = arith.constant 499712 : i32
    %sub3A_732 = vector.broadcast %sub3A_731 : i32 to vector<16xi32>
    %sub3A_733 = arith.subi %get3A_727, %sub3A_732 : vector<16xi32>
    %select_n3A_734 = arith.select %ge3A_730, %sub3A_733, %get3A_727 : vector<16xi1>, vector<16xi32>
    %swap3A_735 = arith.constant 112 : index
    %swap3A_736 = tpu.vector_load %arg15[%swap3A_735] {strides = array<i32>} : memref<128xi32, #tpu.memory_space<vmem>>, vector<16xi32>,
    tpu.vector_store %arg15[%swap3A_735], %select_n3A_734 {strides = array<i32>} : memref<128xi32, #tpu.memory_space<vmem>>, vector<16xi32>,
    %jit3A_737 = arith.constant 64 : i32
    %jit3A_738 = arith.constant 0 : i32
    %broadcast_in_dim3A_739 = vector.broadcast %jit3A_737 : i32 to vector<16xi32>
    %broadcast_in_dim3A_740 = vector.broadcast %jit3A_738 : i32 to vector<16xi32>
    %select_n3A_741 = arith.select %ge3A_730, %broadcast_in_dim3A_739, %broadcast_in_dim3A_740 : vector<16xi1>, vector<16xi32>
    %swap3A_742 = arith.constant 112 : index
    %swap3A_743 = tpu.vector_load %arg6[%swap3A_742] {strides = array<i32>} : memref<128xi32, #tpu.memory_space<vmem>>, vector<16xi32>,
    tpu.vector_store %arg6[%swap3A_742], %select_n3A_741 {strides = array<i32>} : memref<128xi32, #tpu.memory_space<vmem>>, vector<16xi32>,
    %get3A_744 = arith.constant 0 : index
    %get3A_745 = tpu.vector_load %arg23[%get3A_744] {strides = array<i32>} : memref<128xi32, #tpu.memory_space<vmem>>, vector<16xi32>,
    %ge3A_746 = arith.constant 499712 : i32
    %ge3A_747 = vector.broadcast %ge3A_746 : i32 to vector<16xi32>
    %ge3A_748 = arith.cmpi sge, %get3A_745, %ge3A_747 : vector<16xi32>
    %sub3A_749 = arith.constant 499712 : i32
    %sub3A_750 = vector.broadcast %sub3A_749 : i32 to vector<16xi32>
    %sub3A_751 = arith.subi %get3A_745, %sub3A_750 : vector<16xi32>
    %select_n3A_752 = arith.select %ge3A_748, %sub3A_751, %get3A_745 : vector<16xi1>, vector<16xi32>
    %swap3A_753 = arith.constant 0 : index
    %swap3A_754 = tpu.vector_load %arg17[%swap3A_753] {strides = array<i32>} : memref<128xi32, #tpu.memory_space<vmem>>, vector<16xi32>,
    tpu.vector_store %arg17[%swap3A_753], %select_n3A_752 {strides = array<i32>} : memref<128xi32, #tpu.memory_space<vmem>>, vector<16xi32>,
    %jit3A_755 = arith.constant 64 : i32
    %jit3A_756 = arith.constant 0 : i32
    %broadcast_in_dim3A_757 = vector.broadcast %jit3A_755 : i32 to vector<16xi32>
    %broadcast_in_dim3A_758 = vector.broadcast %jit3A_756 : i32 to vector<16xi32>
    %select_n3A_759 = arith.select %ge3A_748, %broadcast_in_dim3A_757, %broadcast_in_dim3A_758 : vector<16xi1>, vector<16xi32>
    %swap3A_760 = arith.constant 0 : index
    %swap3A_761 = tpu.vector_load %arg8[%swap3A_760] {strides = array<i32>} : memref<128xi32, #tpu.memory_space<vmem>>, vector<16xi32>,
    tpu.vector_store %arg8[%swap3A_760], %select_n3A_759 {strides = array<i32>} : memref<128xi32, #tpu.memory_space<vmem>>, vector<16xi32>,
    %get3A_762 = arith.constant 16 : index
    %get3A_763 = tpu.vector_load %arg23[%get3A_762] {strides = array<i32>} : memref<128xi32, #tpu.memory_space<vmem>>, vector<16xi32>,
    %ge3A_764 = arith.constant 499712 : i32
    %ge3A_765 = vector.broadcast %ge3A_764 : i32 to vector<16xi32>
    %ge3A_766 = arith.cmpi sge, %get3A_763, %ge3A_765 : vector<16xi32>
    %sub3A_767 = arith.constant 499712 : i32
    %sub3A_768 = vector.broadcast %sub3A_767 : i32 to vector<16xi32>
    %sub3A_769 = arith.subi %get3A_763, %sub3A_768 : vector<16xi32>
    %select_n3A_770 = arith.select %ge3A_766, %sub3A_769, %get3A_763 : vector<16xi1>, vector<16xi32>
    %swap3A_771 = arith.constant 16 : index
    %swap3A_772 = tpu.vector_load %arg17[%swap3A_771] {strides = array<i32>} : memref<128xi32, #tpu.memory_space<vmem>>, vector<16xi32>,
    tpu.vector_store %arg17[%swap3A_771], %select_n3A_770 {strides = array<i32>} : memref<128xi32, #tpu.memory_space<vmem>>, vector<16xi32>,
    %jit3A_773 = arith.constant 64 : i32
    %jit3A_774 = arith.constant 0 : i32
    %broadcast_in_dim3A_775 = vector.broadcast %jit3A_773 : i32 to vector<16xi32>
    %broadcast_in_dim3A_776 = vector.broadcast %jit3A_774 : i32 to vector<16xi32>
    %select_n3A_777 = arith.select %ge3A_766, %broadcast_in_dim3A_775, %broadcast_in_dim3A_776 : vector<16xi1>, vector<16xi32>
    %swap3A_778 = arith.constant 16 : index
    %swap3A_779 = tpu.vector_load %arg8[%swap3A_778] {strides = array<i32>} : memref<128xi32, #tpu.memory_space<vmem>>, vector<16xi32>,
    tpu.vector_store %arg8[%swap3A_778], %select_n3A_777 {strides = array<i32>} : memref<128xi32, #tpu.memory_space<vmem>>, vector<16xi32>,
    %get3A_780 = arith.constant 32 : index
    %get3A_781 = tpu.vector_load %arg23[%get3A_780] {strides = array<i32>} : memref<128xi32, #tpu.memory_space<vmem>>, vector<16xi32>,
    %ge3A_782 = arith.constant 499712 : i32
    %ge3A_783 = vector.broadcast %ge3A_782 : i32 to vector<16xi32>
    %ge3A_784 = arith.cmpi sge, %get3A_781, %ge3A_783 : vector<16xi32>
    %sub3A_785 = arith.constant 499712 : i32
    %sub3A_786 = vector.broadcast %sub3A_785 : i32 to vector<16xi32>
    %sub3A_787 = arith.subi %get3A_781, %sub3A_786 : vector<16xi32>
    %select_n3A_788 = arith.select %ge3A_784, %sub3A_787, %get3A_781 : vector<16xi1>, vector<16xi32>
    %swap3A_789 = arith.constant 32 : index
    %swap3A_790 = tpu.vector_load %arg17[%swap3A_789] {strides = array<i32>} : memref<128xi32, #tpu.memory_space<vmem>>, vector<16xi32>,
    tpu.vector_store %arg17[%swap3A_789], %select_n3A_788 {strides = array<i32>} : memref<128xi32, #tpu.memory_space<vmem>>, vector<16xi32>,
    %jit3A_791 = arith.constant 64 : i32
    %jit3A_792 = arith.constant 0 : i32
    %broadcast_in_dim3A_793 = vector.broadcast %jit3A_791 : i32 to vector<16xi32>
    %broadcast_in_dim3A_794 = vector.broadcast %jit3A_792 : i32 to vector<16xi32>
    %select_n3A_795 = arith.select %ge3A_784, %broadcast_in_dim3A_793, %broadcast_in_dim3A_794 : vector<16xi1>, vector<16xi32>
    %swap3A_796 = arith.constant 32 : index
    %swap3A_797 = tpu.vector_load %arg8[%swap3A_796] {strides = array<i32>} : memref<128xi32, #tpu.memory_space<vmem>>, vector<16xi32>,
    tpu.vector_store %arg8[%swap3A_796], %select_n3A_795 {strides = array<i32>} : memref<128xi32, #tpu.memory_space<vmem>>, vector<16xi32>,
    %get3A_798 = arith.constant 48 : index
    %get3A_799 = tpu.vector_load %arg23[%get3A_798] {strides = array<i32>} : memref<128xi32, #tpu.memory_space<vmem>>, vector<16xi32>,
    %ge3A_800 = arith.constant 499712 : i32
    %ge3A_801 = vector.broadcast %ge3A_800 : i32 to vector<16xi32>
    %ge3A_802 = arith.cmpi sge, %get3A_799, %ge3A_801 : vector<16xi32>
    %sub3A_803 = arith.constant 499712 : i32
    %sub3A_804 = vector.broadcast %sub3A_803 : i32 to vector<16xi32>
    %sub3A_805 = arith.subi %get3A_799, %sub3A_804 : vector<16xi32>
    %select_n3A_806 = arith.select %ge3A_802, %sub3A_805, %get3A_799 : vector<16xi1>, vector<16xi32>
    %swap3A_807 = arith.constant 48 : index
    %swap3A_808 = tpu.vector_load %arg17[%swap3A_807] {strides = array<i32>} : memref<128xi32, #tpu.memory_space<vmem>>, vector<16xi32>,
    tpu.vector_store %arg17[%swap3A_807], %select_n3A_806 {strides = array<i32>} : memref<128xi32, #tpu.memory_space<vmem>>, vector<16xi32>,
    %jit3A_809 = arith.constant 64 : i32
    %jit3A_810 = arith.constant 0 : i32
    %broadcast_in_dim3A_811 = vector.broadcast %jit3A_809 : i32 to vector<16xi32>
    %broadcast_in_dim3A_812 = vector.broadcast %jit3A_810 : i32 to vector<16xi32>
    %select_n3A_813 = arith.select %ge3A_802, %broadcast_in_dim3A_811, %broadcast_in_dim3A_812 : vector<16xi1>, vector<16xi32>
    %swap3A_814 = arith.constant 48 : index
    %swap3A_815 = tpu.vector_load %arg8[%swap3A_814] {strides = array<i32>} : memref<128xi32, #tpu.memory_space<vmem>>, vector<16xi32>,
    tpu.vector_store %arg8[%swap3A_814], %select_n3A_813 {strides = array<i32>} : memref<128xi32, #tpu.memory_space<vmem>>, vector<16xi32>,
    %get3A_816 = arith.constant 64 : index
    %get3A_817 = tpu.vector_load %arg23[%get3A_816] {strides = array<i32>} : memref<128xi32, #tpu.memory_space<vmem>>, vector<16xi32>,
    %ge3A_818 = arith.constant 499712 : i32
    %ge3A_819 = vector.broadcast %ge3A_818 : i32 to vector<16xi32>
    %ge3A_820 = arith.cmpi sge, %get3A_817, %ge3A_819 : vector<16xi32>
    %sub3A_821 = arith.constant 499712 : i32
    %sub3A_822 = vector.broadcast %sub3A_821 : i32 to vector<16xi32>
    %sub3A_823 = arith.subi %get3A_817, %sub3A_822 : vector<16xi32>
    %select_n3A_824 = arith.select %ge3A_820, %sub3A_823, %get3A_817 : vector<16xi1>, vector<16xi32>
    %swap3A_825 = arith.constant 64 : index
    %swap3A_826 = tpu.vector_load %arg17[%swap3A_825] {strides = array<i32>} : memref<128xi32, #tpu.memory_space<vmem>>, vector<16xi32>,
    tpu.vector_store %arg17[%swap3A_825], %select_n3A_824 {strides = array<i32>} : memref<128xi32, #tpu.memory_space<vmem>>, vector<16xi32>,
    %jit3A_827 = arith.constant 64 : i32
    %jit3A_828 = arith.constant 0 : i32
    %broadcast_in_dim3A_829 = vector.broadcast %jit3A_827 : i32 to vector<16xi32>
    %broadcast_in_dim3A_830 = vector.broadcast %jit3A_828 : i32 to vector<16xi32>
    %select_n3A_831 = arith.select %ge3A_820, %broadcast_in_dim3A_829, %broadcast_in_dim3A_830 : vector<16xi1>, vector<16xi32>
    %swap3A_832 = arith.constant 64 : index
    %swap3A_833 = tpu.vector_load %arg8[%swap3A_832] {strides = array<i32>} : memref<128xi32, #tpu.memory_space<vmem>>, vector<16xi32>,
    tpu.vector_store %arg8[%swap3A_832], %select_n3A_831 {strides = array<i32>} : memref<128xi32, #tpu.memory_space<vmem>>, vector<16xi32>,
    %get3A_834 = arith.constant 80 : index
    %get3A_835 = tpu.vector_load %arg23[%get3A_834] {strides = array<i32>} : memref<128xi32, #tpu.memory_space<vmem>>, vector<16xi32>,
    %ge3A_836 = arith.constant 499712 : i32
    %ge3A_837 = vector.broadcast %ge3A_836 : i32 to vector<16xi32>
    %ge3A_838 = arith.cmpi sge, %get3A_835, %ge3A_837 : vector<16xi32>
    %sub3A_839 = arith.constant 499712 : i32
    %sub3A_840 = vector.broadcast %sub3A_839 : i32 to vector<16xi32>
    %sub3A_841 = arith.subi %get3A_835, %sub3A_840 : vector<16xi32>
    %select_n3A_842 = arith.select %ge3A_838, %sub3A_841, %get3A_835 : vector<16xi1>, vector<16xi32>
    %swap3A_843 = arith.constant 80 : index
    %swap3A_844 = tpu.vector_load %arg17[%swap3A_843] {strides = array<i32>} : memref<128xi32, #tpu.memory_space<vmem>>, vector<16xi32>,
    tpu.vector_store %arg17[%swap3A_843], %select_n3A_842 {strides = array<i32>} : memref<128xi32, #tpu.memory_space<vmem>>, vector<16xi32>,
    %jit3A_845 = arith.constant 64 : i32
    %jit3A_846 = arith.constant 0 : i32
    %broadcast_in_dim3A_847 = vector.broadcast %jit3A_845 : i32 to vector<16xi32>
    %broadcast_in_dim3A_848 = vector.broadcast %jit3A_846 : i32 to vector<16xi32>
    %select_n3A_849 = arith.select %ge3A_838, %broadcast_in_dim3A_847, %broadcast_in_dim3A_848 : vector<16xi1>, vector<16xi32>
    %swap3A_850 = arith.constant 80 : index
    %swap3A_851 = tpu.vector_load %arg8[%swap3A_850] {strides = array<i32>} : memref<128xi32, #tpu.memory_space<vmem>>, vector<16xi32>,
    tpu.vector_store %arg8[%swap3A_850], %select_n3A_849 {strides = array<i32>} : memref<128xi32, #tpu.memory_space<vmem>>, vector<16xi32>,
    %get3A_852 = arith.constant 96 : index
    %get3A_853 = tpu.vector_load %arg23[%get3A_852] {strides = array<i32>} : memref<128xi32, #tpu.memory_space<vmem>>, vector<16xi32>,
    %ge3A_854 = arith.constant 499712 : i32
    %ge3A_855 = vector.broadcast %ge3A_854 : i32 to vector<16xi32>
    %ge3A_856 = arith.cmpi sge, %get3A_853, %ge3A_855 : vector<16xi32>
    %sub3A_857 = arith.constant 499712 : i32
    %sub3A_858 = vector.broadcast %sub3A_857 : i32 to vector<16xi32>
    %sub3A_859 = arith.subi %get3A_853, %sub3A_858 : vector<16xi32>
    %select_n3A_860 = arith.select %ge3A_856, %sub3A_859, %get3A_853 : vector<16xi1>, vector<16xi32>
    %swap3A_861 = arith.constant 96 : index
    %swap3A_862 = tpu.vector_load %arg17[%swap3A_861] {strides = array<i32>} : memref<128xi32, #tpu.memory_space<vmem>>, vector<16xi32>,
    tpu.vector_store %arg17[%swap3A_861], %select_n3A_860 {strides = array<i32>} : memref<128xi32, #tpu.memory_space<vmem>>, vector<16xi32>,
    %jit3A_863 = arith.constant 64 : i32
    %jit3A_864 = arith.constant 0 : i32
    %broadcast_in_dim3A_865 = vector.broadcast %jit3A_863 : i32 to vector<16xi32>
    %broadcast_in_dim3A_866 = vector.broadcast %jit3A_864 : i32 to vector<16xi32>
    %select_n3A_867 = arith.select %ge3A_856, %broadcast_in_dim3A_865, %broadcast_in_dim3A_866 : vector<16xi1>, vector<16xi32>
    %swap3A_868 = arith.constant 96 : index
    %swap3A_869 = tpu.vector_load %arg8[%swap3A_868] {strides = array<i32>} : memref<128xi32, #tpu.memory_space<vmem>>, vector<16xi32>,
    tpu.vector_store %arg8[%swap3A_868], %select_n3A_867 {strides = array<i32>} : memref<128xi32, #tpu.memory_space<vmem>>, vector<16xi32>,
    %get3A_870 = arith.constant 112 : index
    %get3A_871 = tpu.vector_load %arg23[%get3A_870] {strides = array<i32>} : memref<128xi32, #tpu.memory_space<vmem>>, vector<16xi32>,
    %ge3A_872 = arith.constant 499712 : i32
    %ge3A_873 = vector.broadcast %ge3A_872 : i32 to vector<16xi32>
    %ge3A_874 = arith.cmpi sge, %get3A_871, %ge3A_873 : vector<16xi32>
    %sub3A_875 = arith.constant 499712 : i32
    %sub3A_876 = vector.broadcast %sub3A_875 : i32 to vector<16xi32>
    %sub3A_877 = arith.subi %get3A_871, %sub3A_876 : vector<16xi32>
    %select_n3A_878 = arith.select %ge3A_874, %sub3A_877, %get3A_871 : vector<16xi1>, vector<16xi32>
    %swap3A_879 = arith.constant 112 : index
    %swap3A_880 = tpu.vector_load %arg17[%swap3A_879] {strides = array<i32>} : memref<128xi32, #tpu.memory_space<vmem>>, vector<16xi32>,
    tpu.vector_store %arg17[%swap3A_879], %select_n3A_878 {strides = array<i32>} : memref<128xi32, #tpu.memory_space<vmem>>, vector<16xi32>,
    %jit3A_881 = arith.constant 64 : i32
    %jit3A_882 = arith.constant 0 : i32
    %broadcast_in_dim3A_883 = vector.broadcast %jit3A_881 : i32 to vector<16xi32>
    %broadcast_in_dim3A_884 = vector.broadcast %jit3A_882 : i32 to vector<16xi32>
    %select_n3A_885 = arith.select %ge3A_874, %broadcast_in_dim3A_883, %broadcast_in_dim3A_884 : vector<16xi1>, vector<16xi32>
    %swap3A_886 = arith.constant 112 : index
    %swap3A_887 = tpu.vector_load %arg8[%swap3A_886] {strides = array<i32>} : memref<128xi32, #tpu.memory_space<vmem>>, vector<16xi32>,
    tpu.vector_store %arg8[%swap3A_886], %select_n3A_885 {strides = array<i32>} : memref<128xi32, #tpu.memory_space<vmem>>, vector<16xi32>,
    %dma_start3A_888 = arith.constant 0 : i32
    %dma_start3A_889 = arith.constant 0 : i32
    %dma_start3A_890 = tpu.memref_slice %arg4[%dma_start3A_888, %dma_start3A_889] : memref<503808x128xf32, #tpu.memory_space<hbm>> -> memref<503808x128xf32, #tpu.memory_space<hbm>>
    tpu.enqueue_indirect_dma source(%dma_start3A_890 : memref<503808x128xf32, #tpu.memory_space<hbm>>) target(%arg10 : memref<128x128xf32, #tpu.memory_space<vmem>>) offsets(%arg15 : memref<128xi32, #tpu.memory_space<vmem>>) semaphore(%arg19 : memref<!tpu.dma_semaphore, #tpu.memory_space<semaphore_mem>>)
    %dma_start3A_891 = arith.constant 0 : i32
    %dma_start3A_892 = arith.constant 0 : i32
    %dma_start3A_893 = tpu.memref_slice %arg4[%dma_start3A_891, %dma_start3A_892] : memref<503808x128xf32, #tpu.memory_space<hbm>> -> memref<503808x128xf32, #tpu.memory_space<hbm>>
    tpu.enqueue_indirect_dma source(%dma_start3A_893 : memref<503808x128xf32, #tpu.memory_space<hbm>>) target(%arg12 : memref<128x128xf32, #tpu.memory_space<vmem>>) offsets(%arg17 : memref<128xi32, #tpu.memory_space<vmem>>) semaphore(%arg19 : memref<!tpu.dma_semaphore, #tpu.memory_space<semaphore_mem>>)
    %dma_wait3A_894 = arith.constant 0 : i32
    %dma_wait3A_895 = arith.constant 0 : i32
    %dma_wait3A_896 = tpu.memref_slice %arg4[%dma_wait3A_894, %dma_wait3A_895] : memref<503808x128xf32, #tpu.memory_space<hbm>> -> memref<503808x128xf32, #tpu.memory_space<hbm>>
    tpu.wait_indirect_dma semaphore(%arg20 : memref<!tpu.dma_semaphore, #tpu.memory_space<semaphore_mem>>) src(%dma_wait3A_896 : memref<503808x128xf32, #tpu.memory_space<hbm>>) dst(%arg11 : memref<128x128xf32, #tpu.memory_space<vmem>>)
    %dma_wait3A_897 = arith.constant 0 : i32
    %dma_wait3A_898 = arith.constant 0 : i32
    %dma_wait3A_899 = tpu.memref_slice %arg4[%dma_wait3A_897, %dma_wait3A_898] : memref<503808x128xf32, #tpu.memory_space<hbm>> -> memref<503808x128xf32, #tpu.memory_space<hbm>>
    tpu.wait_indirect_dma semaphore(%arg20 : memref<!tpu.dma_semaphore, #tpu.memory_space<semaphore_mem>>) src(%dma_wait3A_899 : memref<503808x128xf32, #tpu.memory_space<hbm>>) dst(%arg13 : memref<128x128xf32, #tpu.memory_space<vmem>>)
    %scan3A_900 = arith.constant 0 : i32
    %scan3A_901 = arith.constant 0 : i32
    %scan3A_902 = arith.constant 8 : i32
    %scan3A_903 = arith.addi %scan3A_901, %scan3A_902 : i32
    %scan3A_904 = arith.constant 1 : i32
    %scan3A_905 = scf.for %scan3A_1229 = %scan3A_901 to %scan3A_903 step %scan3A_904 iter_args(%scan3A_1230 = %scan3A_900) -> (i32)  : i32 {
      %iota3A = tpu.iota {dimensions = array<i32: 0>} : vector<16xi32>
      %mul3A_1231 = arith.constant 16 : i32
      %mul3A_1232 = arith.muli %scan3A_1229, %mul3A_1231 : i32
      %add3A_1233 = vector.broadcast %mul3A_1232 : i32 to vector<16xi32>
      %add3A_1234 = arith.addi %iota3A, %add3A_1233 : vector<16xi32>
      %mul3A_1235 = arith.constant 16 : i32
      %mul3A_1236 = arith.muli %scan3A_1229, %mul3A_1235 : i32
      %get3A_1237 = arith.index_cast %mul3A_1236 : i32 to index
      %get3A_1238 = tpu.vector_load %arg7[%get3A_1237] {strides = array<i32>} : memref<128xi32, #tpu.memory_space<vmem>>, vector<16xi32>,
      %mul3A_1239 = arith.constant 16 : i32
      %mul3A_1240 = arith.muli %scan3A_1229, %mul3A_1239 : i32
      %get3A_1241 = arith.index_cast %mul3A_1240 : i32 to index
      %get3A_1242 = tpu.vector_load %arg9[%get3A_1241] {strides = array<i32>} : memref<128xi32, #tpu.memory_space<vmem>>, vector<16xi32>,
      %broadcast_in_dim3A_1243 = arith.constant 0.000000e+00 : f32
      %broadcast_in_dim3A_1244 = vector.broadcast %broadcast_in_dim3A_1243 : f32 to vector<16xf32>
      %scan3A_1245 = arith.constant 0 : i32
      %scan3A_1246 = arith.constant 64 : i32
      %scan3A_1247 = arith.addi %scan3A_1245, %scan3A_1246 : i32
      %scan3A_1248 = arith.constant 1 : i32
      %scan3A_1249 = scf.for %scan3A_1263 = %scan3A_1245 to %scan3A_1247 step %scan3A_1248 iter_args(%scan3A_1264 = %broadcast_in_dim3A_1244) -> (vector<16xf32>)  : i32 {
        %add3A_1265 = vector.broadcast %scan3A_1263 : i32 to vector<16xi32>
        %add3A_1266 = arith.addi %get3A_1238, %add3A_1265 : vector<16xi32>
        %gather3A = tpu.vector_load_idx %arg11[%add3A_1234, %add3A_1266] : memref<128x128xf32, #tpu.memory_space<vmem>>[vector<16xi32>, vector<16xi32>], vector<16xf32>,
        %add3A_1267 = vector.broadcast %scan3A_1263 : i32 to vector<16xi32>
        %add3A_1268 = arith.addi %get3A_1242, %add3A_1267 : vector<16xi32>
        %gather3A_1269 = tpu.vector_load_idx %arg13[%add3A_1234, %add3A_1268] : memref<128x128xf32, #tpu.memory_space<vmem>>[vector<16xi32>, vector<16xi32>], vector<16xf32>,
        %mul3A_1270 = arith.mulf %gather3A, %gather3A_1269 : vector<16xf32>
        %add3A_1271 = arith.addf %scan3A_1264, %mul3A_1270 : vector<16xf32>
        scf.yield %add3A_1271 : vector<16xf32>
      }
      %scan3A_1250 = arith.constant 64 : i32
      %neg3A = arith.constant 0.000000e+00 : f32
      %neg3A_1251 = vector.broadcast %neg3A : f32 to vector<16xf32>
      %neg3A_1252 = arith.subf %neg3A_1251, %scan3A_1249 : vector<16xf32>
      %exp3A = math.exp %neg3A_1252 : vector<16xf32>
      %add3A_1253 = arith.constant 1.000000e+00 : f32
      %add3A_1254 = vector.broadcast %add3A_1253 : f32 to vector<16xf32>
      %add3A_1255 = arith.addf %add3A_1254, %exp3A : vector<16xf32>
      %div3A = arith.divf %exp3A, %add3A_1255 : vector<16xf32>
      %mul3A_1256 = arith.constant 16 : i32
      %mul3A_1257 = arith.muli %scan3A_1229, %mul3A_1256 : i32
      %add3A_1258 = arith.constant 128 : i32
      %add3A_1259 = arith.addi %add3A_1258, %mul3A_1257 : i32
      %swap3A_1260 = arith.index_cast %add3A_1259 : i32 to index
      %swap3A_1261 = tpu.vector_load %arg14[%swap3A_1260] {strides = array<i32>} : memref<512xf32, #tpu.memory_space<vmem>>, vector<16xf32>,
      tpu.vector_store %arg14[%swap3A_1260], %div3A {strides = array<i32>} : memref<512xf32, #tpu.memory_space<vmem>>, vector<16xf32>,
      %scan3A_1262 = arith.constant 0 : i32
      scf.yield %scan3A_1262 : i32
    }
    %scan3A_906 = arith.constant 8 : i32
    %add3A_907 = arith.constant 384 : i32
    %add3A_908 = arith.addi %mul3A_2, %add3A_907 : i32
    "tpu.region"() ({
      %run_scoped3A = tpu.sem_alloc : memref<!tpu.dma_semaphore, #tpu.memory_space<semaphore_mem>>
      %dma_start3A_1229 = tpu.memref_slice %arg2[%add3A_908] : memref<16384xi32, #tpu.memory_space<hbm>> -> memref<128xi32, #tpu.memory_space<hbm>>
      %dma_start3A_1230 = tpu.memref_slice %arg2[%add3A_908] : memref<16384xi32, #tpu.memory_space<hbm>> -> memref<128xi32, #tpu.memory_space<hbm>>
      tpu.enqueue_dma source(%dma_start3A_1230 : memref<128xi32, #tpu.memory_space<hbm>>) target(%arg22 : memref<128xi32, #tpu.memory_space<vmem>>) target_semaphore(%run_scoped3A : memref<!tpu.dma_semaphore, #tpu.memory_space<semaphore_mem>>)
      %dma_wait3A_1231 = tpu.memref_slice %arg2[%add3A_908] : memref<16384xi32, #tpu.memory_space<hbm>> -> memref<128xi32, #tpu.memory_space<hbm>>
      %dma_wait3A_1232 = tpu.memref_slice %arg2[%add3A_908] : memref<16384xi32, #tpu.memory_space<hbm>> -> memref<128xi32, #tpu.memory_space<hbm>>
      tpu.wait_dma2 semaphore(%run_scoped3A : memref<!tpu.dma_semaphore, #tpu.memory_space<semaphore_mem>>) src(%dma_wait3A_1232 : memref<128xi32, #tpu.memory_space<hbm>>) dst(%arg22 : memref<128xi32, #tpu.memory_space<vmem>>)
      tpu.yield
    }) : () -> ()
    "tpu.region"() ({
      %run_scoped3A = tpu.sem_alloc : memref<!tpu.dma_semaphore, #tpu.memory_space<semaphore_mem>>
      %dma_start3A_1229 = tpu.memref_slice %arg3[%add3A_908] : memref<16384xi32, #tpu.memory_space<hbm>> -> memref<128xi32, #tpu.memory_space<hbm>>
      %dma_start3A_1230 = tpu.memref_slice %arg3[%add3A_908] : memref<16384xi32, #tpu.memory_space<hbm>> -> memref<128xi32, #tpu.memory_space<hbm>>
      tpu.enqueue_dma source(%dma_start3A_1230 : memref<128xi32, #tpu.memory_space<hbm>>) target(%arg24 : memref<128xi32, #tpu.memory_space<vmem>>) target_semaphore(%run_scoped3A : memref<!tpu.dma_semaphore, #tpu.memory_space<semaphore_mem>>)
      %dma_wait3A_1231 = tpu.memref_slice %arg3[%add3A_908] : memref<16384xi32, #tpu.memory_space<hbm>> -> memref<128xi32, #tpu.memory_space<hbm>>
      %dma_wait3A_1232 = tpu.memref_slice %arg3[%add3A_908] : memref<16384xi32, #tpu.memory_space<hbm>> -> memref<128xi32, #tpu.memory_space<hbm>>
      tpu.wait_dma2 semaphore(%run_scoped3A : memref<!tpu.dma_semaphore, #tpu.memory_space<semaphore_mem>>) src(%dma_wait3A_1232 : memref<128xi32, #tpu.memory_space<hbm>>) dst(%arg24 : memref<128xi32, #tpu.memory_space<vmem>>)
      tpu.yield
    }) : () -> ()
    %get3A_909 = arith.constant 0 : index
    %get3A_910 = tpu.vector_load %arg22[%get3A_909] {strides = array<i32>} : memref<128xi32, #tpu.memory_space<vmem>>, vector<16xi32>,
    %ge3A_911 = arith.constant 499712 : i32
    %ge3A_912 = vector.broadcast %ge3A_911 : i32 to vector<16xi32>
    %ge3A_913 = arith.cmpi sge, %get3A_910, %ge3A_912 : vector<16xi32>
    %sub3A_914 = arith.constant 499712 : i32
    %sub3A_915 = vector.broadcast %sub3A_914 : i32 to vector<16xi32>
    %sub3A_916 = arith.subi %get3A_910, %sub3A_915 : vector<16xi32>
    %select_n3A_917 = arith.select %ge3A_913, %sub3A_916, %get3A_910 : vector<16xi1>, vector<16xi32>
    %swap3A_918 = arith.constant 0 : index
    %swap3A_919 = tpu.vector_load %arg16[%swap3A_918] {strides = array<i32>} : memref<128xi32, #tpu.memory_space<vmem>>, vector<16xi32>,
    tpu.vector_store %arg16[%swap3A_918], %select_n3A_917 {strides = array<i32>} : memref<128xi32, #tpu.memory_space<vmem>>, vector<16xi32>,
    %jit3A_920 = arith.constant 64 : i32
    %jit3A_921 = arith.constant 0 : i32
    %broadcast_in_dim3A_922 = vector.broadcast %jit3A_920 : i32 to vector<16xi32>
    %broadcast_in_dim3A_923 = vector.broadcast %jit3A_921 : i32 to vector<16xi32>
    %select_n3A_924 = arith.select %ge3A_913, %broadcast_in_dim3A_922, %broadcast_in_dim3A_923 : vector<16xi1>, vector<16xi32>
    %swap3A_925 = arith.constant 0 : index
    %swap3A_926 = tpu.vector_load %arg7[%swap3A_925] {strides = array<i32>} : memref<128xi32, #tpu.memory_space<vmem>>, vector<16xi32>,
    tpu.vector_store %arg7[%swap3A_925], %select_n3A_924 {strides = array<i32>} : memref<128xi32, #tpu.memory_space<vmem>>, vector<16xi32>,
    %get3A_927 = arith.constant 16 : index
    %get3A_928 = tpu.vector_load %arg22[%get3A_927] {strides = array<i32>} : memref<128xi32, #tpu.memory_space<vmem>>, vector<16xi32>,
    %ge3A_929 = arith.constant 499712 : i32
    %ge3A_930 = vector.broadcast %ge3A_929 : i32 to vector<16xi32>
    %ge3A_931 = arith.cmpi sge, %get3A_928, %ge3A_930 : vector<16xi32>
    %sub3A_932 = arith.constant 499712 : i32
    %sub3A_933 = vector.broadcast %sub3A_932 : i32 to vector<16xi32>
    %sub3A_934 = arith.subi %get3A_928, %sub3A_933 : vector<16xi32>
    %select_n3A_935 = arith.select %ge3A_931, %sub3A_934, %get3A_928 : vector<16xi1>, vector<16xi32>
    %swap3A_936 = arith.constant 16 : index
    %swap3A_937 = tpu.vector_load %arg16[%swap3A_936] {strides = array<i32>} : memref<128xi32, #tpu.memory_space<vmem>>, vector<16xi32>,
    tpu.vector_store %arg16[%swap3A_936], %select_n3A_935 {strides = array<i32>} : memref<128xi32, #tpu.memory_space<vmem>>, vector<16xi32>,
    %jit3A_938 = arith.constant 64 : i32
    %jit3A_939 = arith.constant 0 : i32
    %broadcast_in_dim3A_940 = vector.broadcast %jit3A_938 : i32 to vector<16xi32>
    %broadcast_in_dim3A_941 = vector.broadcast %jit3A_939 : i32 to vector<16xi32>
    %select_n3A_942 = arith.select %ge3A_931, %broadcast_in_dim3A_940, %broadcast_in_dim3A_941 : vector<16xi1>, vector<16xi32>
    %swap3A_943 = arith.constant 16 : index
    %swap3A_944 = tpu.vector_load %arg7[%swap3A_943] {strides = array<i32>} : memref<128xi32, #tpu.memory_space<vmem>>, vector<16xi32>,
    tpu.vector_store %arg7[%swap3A_943], %select_n3A_942 {strides = array<i32>} : memref<128xi32, #tpu.memory_space<vmem>>, vector<16xi32>,
    %get3A_945 = arith.constant 32 : index
    %get3A_946 = tpu.vector_load %arg22[%get3A_945] {strides = array<i32>} : memref<128xi32, #tpu.memory_space<vmem>>, vector<16xi32>,
    %ge3A_947 = arith.constant 499712 : i32
    %ge3A_948 = vector.broadcast %ge3A_947 : i32 to vector<16xi32>
    %ge3A_949 = arith.cmpi sge, %get3A_946, %ge3A_948 : vector<16xi32>
    %sub3A_950 = arith.constant 499712 : i32
    %sub3A_951 = vector.broadcast %sub3A_950 : i32 to vector<16xi32>
    %sub3A_952 = arith.subi %get3A_946, %sub3A_951 : vector<16xi32>
    %select_n3A_953 = arith.select %ge3A_949, %sub3A_952, %get3A_946 : vector<16xi1>, vector<16xi32>
    %swap3A_954 = arith.constant 32 : index
    %swap3A_955 = tpu.vector_load %arg16[%swap3A_954] {strides = array<i32>} : memref<128xi32, #tpu.memory_space<vmem>>, vector<16xi32>,
    tpu.vector_store %arg16[%swap3A_954], %select_n3A_953 {strides = array<i32>} : memref<128xi32, #tpu.memory_space<vmem>>, vector<16xi32>,
    %jit3A_956 = arith.constant 64 : i32
    %jit3A_957 = arith.constant 0 : i32
    %broadcast_in_dim3A_958 = vector.broadcast %jit3A_956 : i32 to vector<16xi32>
    %broadcast_in_dim3A_959 = vector.broadcast %jit3A_957 : i32 to vector<16xi32>
    %select_n3A_960 = arith.select %ge3A_949, %broadcast_in_dim3A_958, %broadcast_in_dim3A_959 : vector<16xi1>, vector<16xi32>
    %swap3A_961 = arith.constant 32 : index
    %swap3A_962 = tpu.vector_load %arg7[%swap3A_961] {strides = array<i32>} : memref<128xi32, #tpu.memory_space<vmem>>, vector<16xi32>,
    tpu.vector_store %arg7[%swap3A_961], %select_n3A_960 {strides = array<i32>} : memref<128xi32, #tpu.memory_space<vmem>>, vector<16xi32>,
    %get3A_963 = arith.constant 48 : index
    %get3A_964 = tpu.vector_load %arg22[%get3A_963] {strides = array<i32>} : memref<128xi32, #tpu.memory_space<vmem>>, vector<16xi32>,
    %ge3A_965 = arith.constant 499712 : i32
    %ge3A_966 = vector.broadcast %ge3A_965 : i32 to vector<16xi32>
    %ge3A_967 = arith.cmpi sge, %get3A_964, %ge3A_966 : vector<16xi32>
    %sub3A_968 = arith.constant 499712 : i32
    %sub3A_969 = vector.broadcast %sub3A_968 : i32 to vector<16xi32>
    %sub3A_970 = arith.subi %get3A_964, %sub3A_969 : vector<16xi32>
    %select_n3A_971 = arith.select %ge3A_967, %sub3A_970, %get3A_964 : vector<16xi1>, vector<16xi32>
    %swap3A_972 = arith.constant 48 : index
    %swap3A_973 = tpu.vector_load %arg16[%swap3A_972] {strides = array<i32>} : memref<128xi32, #tpu.memory_space<vmem>>, vector<16xi32>,
    tpu.vector_store %arg16[%swap3A_972], %select_n3A_971 {strides = array<i32>} : memref<128xi32, #tpu.memory_space<vmem>>, vector<16xi32>,
    %jit3A_974 = arith.constant 64 : i32
    %jit3A_975 = arith.constant 0 : i32
    %broadcast_in_dim3A_976 = vector.broadcast %jit3A_974 : i32 to vector<16xi32>
    %broadcast_in_dim3A_977 = vector.broadcast %jit3A_975 : i32 to vector<16xi32>
    %select_n3A_978 = arith.select %ge3A_967, %broadcast_in_dim3A_976, %broadcast_in_dim3A_977 : vector<16xi1>, vector<16xi32>
    %swap3A_979 = arith.constant 48 : index
    %swap3A_980 = tpu.vector_load %arg7[%swap3A_979] {strides = array<i32>} : memref<128xi32, #tpu.memory_space<vmem>>, vector<16xi32>,
    tpu.vector_store %arg7[%swap3A_979], %select_n3A_978 {strides = array<i32>} : memref<128xi32, #tpu.memory_space<vmem>>, vector<16xi32>,
    %get3A_981 = arith.constant 64 : index
    %get3A_982 = tpu.vector_load %arg22[%get3A_981] {strides = array<i32>} : memref<128xi32, #tpu.memory_space<vmem>>, vector<16xi32>,
    %ge3A_983 = arith.constant 499712 : i32
    %ge3A_984 = vector.broadcast %ge3A_983 : i32 to vector<16xi32>
    %ge3A_985 = arith.cmpi sge, %get3A_982, %ge3A_984 : vector<16xi32>
    %sub3A_986 = arith.constant 499712 : i32
    %sub3A_987 = vector.broadcast %sub3A_986 : i32 to vector<16xi32>
    %sub3A_988 = arith.subi %get3A_982, %sub3A_987 : vector<16xi32>
    %select_n3A_989 = arith.select %ge3A_985, %sub3A_988, %get3A_982 : vector<16xi1>, vector<16xi32>
    %swap3A_990 = arith.constant 64 : index
    %swap3A_991 = tpu.vector_load %arg16[%swap3A_990] {strides = array<i32>} : memref<128xi32, #tpu.memory_space<vmem>>, vector<16xi32>,
    tpu.vector_store %arg16[%swap3A_990], %select_n3A_989 {strides = array<i32>} : memref<128xi32, #tpu.memory_space<vmem>>, vector<16xi32>,
    %jit3A_992 = arith.constant 64 : i32
    %jit3A_993 = arith.constant 0 : i32
    %broadcast_in_dim3A_994 = vector.broadcast %jit3A_992 : i32 to vector<16xi32>
    %broadcast_in_dim3A_995 = vector.broadcast %jit3A_993 : i32 to vector<16xi32>
    %select_n3A_996 = arith.select %ge3A_985, %broadcast_in_dim3A_994, %broadcast_in_dim3A_995 : vector<16xi1>, vector<16xi32>
    %swap3A_997 = arith.constant 64 : index
    %swap3A_998 = tpu.vector_load %arg7[%swap3A_997] {strides = array<i32>} : memref<128xi32, #tpu.memory_space<vmem>>, vector<16xi32>,
    tpu.vector_store %arg7[%swap3A_997], %select_n3A_996 {strides = array<i32>} : memref<128xi32, #tpu.memory_space<vmem>>, vector<16xi32>,
    %get3A_999 = arith.constant 80 : index
    %get3A_1000 = tpu.vector_load %arg22[%get3A_999] {strides = array<i32>} : memref<128xi32, #tpu.memory_space<vmem>>, vector<16xi32>,
    %ge3A_1001 = arith.constant 499712 : i32
    %ge3A_1002 = vector.broadcast %ge3A_1001 : i32 to vector<16xi32>
    %ge3A_1003 = arith.cmpi sge, %get3A_1000, %ge3A_1002 : vector<16xi32>
    %sub3A_1004 = arith.constant 499712 : i32
    %sub3A_1005 = vector.broadcast %sub3A_1004 : i32 to vector<16xi32>
    %sub3A_1006 = arith.subi %get3A_1000, %sub3A_1005 : vector<16xi32>
    %select_n3A_1007 = arith.select %ge3A_1003, %sub3A_1006, %get3A_1000 : vector<16xi1>, vector<16xi32>
    %swap3A_1008 = arith.constant 80 : index
    %swap3A_1009 = tpu.vector_load %arg16[%swap3A_1008] {strides = array<i32>} : memref<128xi32, #tpu.memory_space<vmem>>, vector<16xi32>,
    tpu.vector_store %arg16[%swap3A_1008], %select_n3A_1007 {strides = array<i32>} : memref<128xi32, #tpu.memory_space<vmem>>, vector<16xi32>,
    %jit3A_1010 = arith.constant 64 : i32
    %jit3A_1011 = arith.constant 0 : i32
    %broadcast_in_dim3A_1012 = vector.broadcast %jit3A_1010 : i32 to vector<16xi32>
    %broadcast_in_dim3A_1013 = vector.broadcast %jit3A_1011 : i32 to vector<16xi32>
    %select_n3A_1014 = arith.select %ge3A_1003, %broadcast_in_dim3A_1012, %broadcast_in_dim3A_1013 : vector<16xi1>, vector<16xi32>
    %swap3A_1015 = arith.constant 80 : index
    %swap3A_1016 = tpu.vector_load %arg7[%swap3A_1015] {strides = array<i32>} : memref<128xi32, #tpu.memory_space<vmem>>, vector<16xi32>,
    tpu.vector_store %arg7[%swap3A_1015], %select_n3A_1014 {strides = array<i32>} : memref<128xi32, #tpu.memory_space<vmem>>, vector<16xi32>,
    %get3A_1017 = arith.constant 96 : index
    %get3A_1018 = tpu.vector_load %arg22[%get3A_1017] {strides = array<i32>} : memref<128xi32, #tpu.memory_space<vmem>>, vector<16xi32>,
    %ge3A_1019 = arith.constant 499712 : i32
    %ge3A_1020 = vector.broadcast %ge3A_1019 : i32 to vector<16xi32>
    %ge3A_1021 = arith.cmpi sge, %get3A_1018, %ge3A_1020 : vector<16xi32>
    %sub3A_1022 = arith.constant 499712 : i32
    %sub3A_1023 = vector.broadcast %sub3A_1022 : i32 to vector<16xi32>
    %sub3A_1024 = arith.subi %get3A_1018, %sub3A_1023 : vector<16xi32>
    %select_n3A_1025 = arith.select %ge3A_1021, %sub3A_1024, %get3A_1018 : vector<16xi1>, vector<16xi32>
    %swap3A_1026 = arith.constant 96 : index
    %swap3A_1027 = tpu.vector_load %arg16[%swap3A_1026] {strides = array<i32>} : memref<128xi32, #tpu.memory_space<vmem>>, vector<16xi32>,
    tpu.vector_store %arg16[%swap3A_1026], %select_n3A_1025 {strides = array<i32>} : memref<128xi32, #tpu.memory_space<vmem>>, vector<16xi32>,
    %jit3A_1028 = arith.constant 64 : i32
    %jit3A_1029 = arith.constant 0 : i32
    %broadcast_in_dim3A_1030 = vector.broadcast %jit3A_1028 : i32 to vector<16xi32>
    %broadcast_in_dim3A_1031 = vector.broadcast %jit3A_1029 : i32 to vector<16xi32>
    %select_n3A_1032 = arith.select %ge3A_1021, %broadcast_in_dim3A_1030, %broadcast_in_dim3A_1031 : vector<16xi1>, vector<16xi32>
    %swap3A_1033 = arith.constant 96 : index
    %swap3A_1034 = tpu.vector_load %arg7[%swap3A_1033] {strides = array<i32>} : memref<128xi32, #tpu.memory_space<vmem>>, vector<16xi32>,
    tpu.vector_store %arg7[%swap3A_1033], %select_n3A_1032 {strides = array<i32>} : memref<128xi32, #tpu.memory_space<vmem>>, vector<16xi32>,
    %get3A_1035 = arith.constant 112 : index
    %get3A_1036 = tpu.vector_load %arg22[%get3A_1035] {strides = array<i32>} : memref<128xi32, #tpu.memory_space<vmem>>, vector<16xi32>,
    %ge3A_1037 = arith.constant 499712 : i32
    %ge3A_1038 = vector.broadcast %ge3A_1037 : i32 to vector<16xi32>
    %ge3A_1039 = arith.cmpi sge, %get3A_1036, %ge3A_1038 : vector<16xi32>
    %sub3A_1040 = arith.constant 499712 : i32
    %sub3A_1041 = vector.broadcast %sub3A_1040 : i32 to vector<16xi32>
    %sub3A_1042 = arith.subi %get3A_1036, %sub3A_1041 : vector<16xi32>
    %select_n3A_1043 = arith.select %ge3A_1039, %sub3A_1042, %get3A_1036 : vector<16xi1>, vector<16xi32>
    %swap3A_1044 = arith.constant 112 : index
    %swap3A_1045 = tpu.vector_load %arg16[%swap3A_1044] {strides = array<i32>} : memref<128xi32, #tpu.memory_space<vmem>>, vector<16xi32>,
    tpu.vector_store %arg16[%swap3A_1044], %select_n3A_1043 {strides = array<i32>} : memref<128xi32, #tpu.memory_space<vmem>>, vector<16xi32>,
    %jit3A_1046 = arith.constant 64 : i32
    %jit3A_1047 = arith.constant 0 : i32
    %broadcast_in_dim3A_1048 = vector.broadcast %jit3A_1046 : i32 to vector<16xi32>
    %broadcast_in_dim3A_1049 = vector.broadcast %jit3A_1047 : i32 to vector<16xi32>
    %select_n3A_1050 = arith.select %ge3A_1039, %broadcast_in_dim3A_1048, %broadcast_in_dim3A_1049 : vector<16xi1>, vector<16xi32>
    %swap3A_1051 = arith.constant 112 : index
    %swap3A_1052 = tpu.vector_load %arg7[%swap3A_1051] {strides = array<i32>} : memref<128xi32, #tpu.memory_space<vmem>>, vector<16xi32>,
    tpu.vector_store %arg7[%swap3A_1051], %select_n3A_1050 {strides = array<i32>} : memref<128xi32, #tpu.memory_space<vmem>>, vector<16xi32>,
    %get3A_1053 = arith.constant 0 : index
    %get3A_1054 = tpu.vector_load %arg24[%get3A_1053] {strides = array<i32>} : memref<128xi32, #tpu.memory_space<vmem>>, vector<16xi32>,
    %ge3A_1055 = arith.constant 499712 : i32
    %ge3A_1056 = vector.broadcast %ge3A_1055 : i32 to vector<16xi32>
    %ge3A_1057 = arith.cmpi sge, %get3A_1054, %ge3A_1056 : vector<16xi32>
    %sub3A_1058 = arith.constant 499712 : i32
    %sub3A_1059 = vector.broadcast %sub3A_1058 : i32 to vector<16xi32>
    %sub3A_1060 = arith.subi %get3A_1054, %sub3A_1059 : vector<16xi32>
    %select_n3A_1061 = arith.select %ge3A_1057, %sub3A_1060, %get3A_1054 : vector<16xi1>, vector<16xi32>
    %swap3A_1062 = arith.constant 0 : index
    %swap3A_1063 = tpu.vector_load %arg18[%swap3A_1062] {strides = array<i32>} : memref<128xi32, #tpu.memory_space<vmem>>, vector<16xi32>,
    tpu.vector_store %arg18[%swap3A_1062], %select_n3A_1061 {strides = array<i32>} : memref<128xi32, #tpu.memory_space<vmem>>, vector<16xi32>,
    %jit3A_1064 = arith.constant 64 : i32
    %jit3A_1065 = arith.constant 0 : i32
    %broadcast_in_dim3A_1066 = vector.broadcast %jit3A_1064 : i32 to vector<16xi32>
    %broadcast_in_dim3A_1067 = vector.broadcast %jit3A_1065 : i32 to vector<16xi32>
    %select_n3A_1068 = arith.select %ge3A_1057, %broadcast_in_dim3A_1066, %broadcast_in_dim3A_1067 : vector<16xi1>, vector<16xi32>
    %swap3A_1069 = arith.constant 0 : index
    %swap3A_1070 = tpu.vector_load %arg9[%swap3A_1069] {strides = array<i32>} : memref<128xi32, #tpu.memory_space<vmem>>, vector<16xi32>,
    tpu.vector_store %arg9[%swap3A_1069], %select_n3A_1068 {strides = array<i32>} : memref<128xi32, #tpu.memory_space<vmem>>, vector<16xi32>,
    %get3A_1071 = arith.constant 16 : index
    %get3A_1072 = tpu.vector_load %arg24[%get3A_1071] {strides = array<i32>} : memref<128xi32, #tpu.memory_space<vmem>>, vector<16xi32>,
    %ge3A_1073 = arith.constant 499712 : i32
    %ge3A_1074 = vector.broadcast %ge3A_1073 : i32 to vector<16xi32>
    %ge3A_1075 = arith.cmpi sge, %get3A_1072, %ge3A_1074 : vector<16xi32>
    %sub3A_1076 = arith.constant 499712 : i32
    %sub3A_1077 = vector.broadcast %sub3A_1076 : i32 to vector<16xi32>
    %sub3A_1078 = arith.subi %get3A_1072, %sub3A_1077 : vector<16xi32>
    %select_n3A_1079 = arith.select %ge3A_1075, %sub3A_1078, %get3A_1072 : vector<16xi1>, vector<16xi32>
    %swap3A_1080 = arith.constant 16 : index
    %swap3A_1081 = tpu.vector_load %arg18[%swap3A_1080] {strides = array<i32>} : memref<128xi32, #tpu.memory_space<vmem>>, vector<16xi32>,
    tpu.vector_store %arg18[%swap3A_1080], %select_n3A_1079 {strides = array<i32>} : memref<128xi32, #tpu.memory_space<vmem>>, vector<16xi32>,
    %jit3A_1082 = arith.constant 64 : i32
    %jit3A_1083 = arith.constant 0 : i32
    %broadcast_in_dim3A_1084 = vector.broadcast %jit3A_1082 : i32 to vector<16xi32>
    %broadcast_in_dim3A_1085 = vector.broadcast %jit3A_1083 : i32 to vector<16xi32>
    %select_n3A_1086 = arith.select %ge3A_1075, %broadcast_in_dim3A_1084, %broadcast_in_dim3A_1085 : vector<16xi1>, vector<16xi32>
    %swap3A_1087 = arith.constant 16 : index
    %swap3A_1088 = tpu.vector_load %arg9[%swap3A_1087] {strides = array<i32>} : memref<128xi32, #tpu.memory_space<vmem>>, vector<16xi32>,
    tpu.vector_store %arg9[%swap3A_1087], %select_n3A_1086 {strides = array<i32>} : memref<128xi32, #tpu.memory_space<vmem>>, vector<16xi32>,
    %get3A_1089 = arith.constant 32 : index
    %get3A_1090 = tpu.vector_load %arg24[%get3A_1089] {strides = array<i32>} : memref<128xi32, #tpu.memory_space<vmem>>, vector<16xi32>,
    %ge3A_1091 = arith.constant 499712 : i32
    %ge3A_1092 = vector.broadcast %ge3A_1091 : i32 to vector<16xi32>
    %ge3A_1093 = arith.cmpi sge, %get3A_1090, %ge3A_1092 : vector<16xi32>
    %sub3A_1094 = arith.constant 499712 : i32
    %sub3A_1095 = vector.broadcast %sub3A_1094 : i32 to vector<16xi32>
    %sub3A_1096 = arith.subi %get3A_1090, %sub3A_1095 : vector<16xi32>
    %select_n3A_1097 = arith.select %ge3A_1093, %sub3A_1096, %get3A_1090 : vector<16xi1>, vector<16xi32>
    %swap3A_1098 = arith.constant 32 : index
    %swap3A_1099 = tpu.vector_load %arg18[%swap3A_1098] {strides = array<i32>} : memref<128xi32, #tpu.memory_space<vmem>>, vector<16xi32>,
    tpu.vector_store %arg18[%swap3A_1098], %select_n3A_1097 {strides = array<i32>} : memref<128xi32, #tpu.memory_space<vmem>>, vector<16xi32>,
    %jit3A_1100 = arith.constant 64 : i32
    %jit3A_1101 = arith.constant 0 : i32
    %broadcast_in_dim3A_1102 = vector.broadcast %jit3A_1100 : i32 to vector<16xi32>
    %broadcast_in_dim3A_1103 = vector.broadcast %jit3A_1101 : i32 to vector<16xi32>
    %select_n3A_1104 = arith.select %ge3A_1093, %broadcast_in_dim3A_1102, %broadcast_in_dim3A_1103 : vector<16xi1>, vector<16xi32>
    %swap3A_1105 = arith.constant 32 : index
    %swap3A_1106 = tpu.vector_load %arg9[%swap3A_1105] {strides = array<i32>} : memref<128xi32, #tpu.memory_space<vmem>>, vector<16xi32>,
    tpu.vector_store %arg9[%swap3A_1105], %select_n3A_1104 {strides = array<i32>} : memref<128xi32, #tpu.memory_space<vmem>>, vector<16xi32>,
    %get3A_1107 = arith.constant 48 : index
    %get3A_1108 = tpu.vector_load %arg24[%get3A_1107] {strides = array<i32>} : memref<128xi32, #tpu.memory_space<vmem>>, vector<16xi32>,
    %ge3A_1109 = arith.constant 499712 : i32
    %ge3A_1110 = vector.broadcast %ge3A_1109 : i32 to vector<16xi32>
    %ge3A_1111 = arith.cmpi sge, %get3A_1108, %ge3A_1110 : vector<16xi32>
    %sub3A_1112 = arith.constant 499712 : i32
    %sub3A_1113 = vector.broadcast %sub3A_1112 : i32 to vector<16xi32>
    %sub3A_1114 = arith.subi %get3A_1108, %sub3A_1113 : vector<16xi32>
    %select_n3A_1115 = arith.select %ge3A_1111, %sub3A_1114, %get3A_1108 : vector<16xi1>, vector<16xi32>
    %swap3A_1116 = arith.constant 48 : index
    %swap3A_1117 = tpu.vector_load %arg18[%swap3A_1116] {strides = array<i32>} : memref<128xi32, #tpu.memory_space<vmem>>, vector<16xi32>,
    tpu.vector_store %arg18[%swap3A_1116], %select_n3A_1115 {strides = array<i32>} : memref<128xi32, #tpu.memory_space<vmem>>, vector<16xi32>,
    %jit3A_1118 = arith.constant 64 : i32
    %jit3A_1119 = arith.constant 0 : i32
    %broadcast_in_dim3A_1120 = vector.broadcast %jit3A_1118 : i32 to vector<16xi32>
    %broadcast_in_dim3A_1121 = vector.broadcast %jit3A_1119 : i32 to vector<16xi32>
    %select_n3A_1122 = arith.select %ge3A_1111, %broadcast_in_dim3A_1120, %broadcast_in_dim3A_1121 : vector<16xi1>, vector<16xi32>
    %swap3A_1123 = arith.constant 48 : index
    %swap3A_1124 = tpu.vector_load %arg9[%swap3A_1123] {strides = array<i32>} : memref<128xi32, #tpu.memory_space<vmem>>, vector<16xi32>,
    tpu.vector_store %arg9[%swap3A_1123], %select_n3A_1122 {strides = array<i32>} : memref<128xi32, #tpu.memory_space<vmem>>, vector<16xi32>,
    %get3A_1125 = arith.constant 64 : index
    %get3A_1126 = tpu.vector_load %arg24[%get3A_1125] {strides = array<i32>} : memref<128xi32, #tpu.memory_space<vmem>>, vector<16xi32>,
    %ge3A_1127 = arith.constant 499712 : i32
    %ge3A_1128 = vector.broadcast %ge3A_1127 : i32 to vector<16xi32>
    %ge3A_1129 = arith.cmpi sge, %get3A_1126, %ge3A_1128 : vector<16xi32>
    %sub3A_1130 = arith.constant 499712 : i32
    %sub3A_1131 = vector.broadcast %sub3A_1130 : i32 to vector<16xi32>
    %sub3A_1132 = arith.subi %get3A_1126, %sub3A_1131 : vector<16xi32>
    %select_n3A_1133 = arith.select %ge3A_1129, %sub3A_1132, %get3A_1126 : vector<16xi1>, vector<16xi32>
    %swap3A_1134 = arith.constant 64 : index
    %swap3A_1135 = tpu.vector_load %arg18[%swap3A_1134] {strides = array<i32>} : memref<128xi32, #tpu.memory_space<vmem>>, vector<16xi32>,
    tpu.vector_store %arg18[%swap3A_1134], %select_n3A_1133 {strides = array<i32>} : memref<128xi32, #tpu.memory_space<vmem>>, vector<16xi32>,
    %jit3A_1136 = arith.constant 64 : i32
    %jit3A_1137 = arith.constant 0 : i32
    %broadcast_in_dim3A_1138 = vector.broadcast %jit3A_1136 : i32 to vector<16xi32>
    %broadcast_in_dim3A_1139 = vector.broadcast %jit3A_1137 : i32 to vector<16xi32>
    %select_n3A_1140 = arith.select %ge3A_1129, %broadcast_in_dim3A_1138, %broadcast_in_dim3A_1139 : vector<16xi1>, vector<16xi32>
    %swap3A_1141 = arith.constant 64 : index
    %swap3A_1142 = tpu.vector_load %arg9[%swap3A_1141] {strides = array<i32>} : memref<128xi32, #tpu.memory_space<vmem>>, vector<16xi32>,
    tpu.vector_store %arg9[%swap3A_1141], %select_n3A_1140 {strides = array<i32>} : memref<128xi32, #tpu.memory_space<vmem>>, vector<16xi32>,
    %get3A_1143 = arith.constant 80 : index
    %get3A_1144 = tpu.vector_load %arg24[%get3A_1143] {strides = array<i32>} : memref<128xi32, #tpu.memory_space<vmem>>, vector<16xi32>,
    %ge3A_1145 = arith.constant 499712 : i32
    %ge3A_1146 = vector.broadcast %ge3A_1145 : i32 to vector<16xi32>
    %ge3A_1147 = arith.cmpi sge, %get3A_1144, %ge3A_1146 : vector<16xi32>
    %sub3A_1148 = arith.constant 499712 : i32
    %sub3A_1149 = vector.broadcast %sub3A_1148 : i32 to vector<16xi32>
    %sub3A_1150 = arith.subi %get3A_1144, %sub3A_1149 : vector<16xi32>
    %select_n3A_1151 = arith.select %ge3A_1147, %sub3A_1150, %get3A_1144 : vector<16xi1>, vector<16xi32>
    %swap3A_1152 = arith.constant 80 : index
    %swap3A_1153 = tpu.vector_load %arg18[%swap3A_1152] {strides = array<i32>} : memref<128xi32, #tpu.memory_space<vmem>>, vector<16xi32>,
    tpu.vector_store %arg18[%swap3A_1152], %select_n3A_1151 {strides = array<i32>} : memref<128xi32, #tpu.memory_space<vmem>>, vector<16xi32>,
    %jit3A_1154 = arith.constant 64 : i32
    %jit3A_1155 = arith.constant 0 : i32
    %broadcast_in_dim3A_1156 = vector.broadcast %jit3A_1154 : i32 to vector<16xi32>
    %broadcast_in_dim3A_1157 = vector.broadcast %jit3A_1155 : i32 to vector<16xi32>
    %select_n3A_1158 = arith.select %ge3A_1147, %broadcast_in_dim3A_1156, %broadcast_in_dim3A_1157 : vector<16xi1>, vector<16xi32>
    %swap3A_1159 = arith.constant 80 : index
    %swap3A_1160 = tpu.vector_load %arg9[%swap3A_1159] {strides = array<i32>} : memref<128xi32, #tpu.memory_space<vmem>>, vector<16xi32>,
    tpu.vector_store %arg9[%swap3A_1159], %select_n3A_1158 {strides = array<i32>} : memref<128xi32, #tpu.memory_space<vmem>>, vector<16xi32>,
    %get3A_1161 = arith.constant 96 : index
    %get3A_1162 = tpu.vector_load %arg24[%get3A_1161] {strides = array<i32>} : memref<128xi32, #tpu.memory_space<vmem>>, vector<16xi32>,
    %ge3A_1163 = arith.constant 499712 : i32
    %ge3A_1164 = vector.broadcast %ge3A_1163 : i32 to vector<16xi32>
    %ge3A_1165 = arith.cmpi sge, %get3A_1162, %ge3A_1164 : vector<16xi32>
    %sub3A_1166 = arith.constant 499712 : i32
    %sub3A_1167 = vector.broadcast %sub3A_1166 : i32 to vector<16xi32>
    %sub3A_1168 = arith.subi %get3A_1162, %sub3A_1167 : vector<16xi32>
    %select_n3A_1169 = arith.select %ge3A_1165, %sub3A_1168, %get3A_1162 : vector<16xi1>, vector<16xi32>
    %swap3A_1170 = arith.constant 96 : index
    %swap3A_1171 = tpu.vector_load %arg18[%swap3A_1170] {strides = array<i32>} : memref<128xi32, #tpu.memory_space<vmem>>, vector<16xi32>,
    tpu.vector_store %arg18[%swap3A_1170], %select_n3A_1169 {strides = array<i32>} : memref<128xi32, #tpu.memory_space<vmem>>, vector<16xi32>,
    %jit3A_1172 = arith.constant 64 : i32
    %jit3A_1173 = arith.constant 0 : i32
    %broadcast_in_dim3A_1174 = vector.broadcast %jit3A_1172 : i32 to vector<16xi32>
    %broadcast_in_dim3A_1175 = vector.broadcast %jit3A_1173 : i32 to vector<16xi32>
    %select_n3A_1176 = arith.select %ge3A_1165, %broadcast_in_dim3A_1174, %broadcast_in_dim3A_1175 : vector<16xi1>, vector<16xi32>
    %swap3A_1177 = arith.constant 96 : index
    %swap3A_1178 = tpu.vector_load %arg9[%swap3A_1177] {strides = array<i32>} : memref<128xi32, #tpu.memory_space<vmem>>, vector<16xi32>,
    tpu.vector_store %arg9[%swap3A_1177], %select_n3A_1176 {strides = array<i32>} : memref<128xi32, #tpu.memory_space<vmem>>, vector<16xi32>,
    %get3A_1179 = arith.constant 112 : index
    %get3A_1180 = tpu.vector_load %arg24[%get3A_1179] {strides = array<i32>} : memref<128xi32, #tpu.memory_space<vmem>>, vector<16xi32>,
    %ge3A_1181 = arith.constant 499712 : i32
    %ge3A_1182 = vector.broadcast %ge3A_1181 : i32 to vector<16xi32>
    %ge3A_1183 = arith.cmpi sge, %get3A_1180, %ge3A_1182 : vector<16xi32>
    %sub3A_1184 = arith.constant 499712 : i32
    %sub3A_1185 = vector.broadcast %sub3A_1184 : i32 to vector<16xi32>
    %sub3A_1186 = arith.subi %get3A_1180, %sub3A_1185 : vector<16xi32>
    %select_n3A_1187 = arith.select %ge3A_1183, %sub3A_1186, %get3A_1180 : vector<16xi1>, vector<16xi32>
    %swap3A_1188 = arith.constant 112 : index
    %swap3A_1189 = tpu.vector_load %arg18[%swap3A_1188] {strides = array<i32>} : memref<128xi32, #tpu.memory_space<vmem>>, vector<16xi32>,
    tpu.vector_store %arg18[%swap3A_1188], %select_n3A_1187 {strides = array<i32>} : memref<128xi32, #tpu.memory_space<vmem>>, vector<16xi32>,
    %jit3A_1190 = arith.constant 64 : i32
    %jit3A_1191 = arith.constant 0 : i32
    %broadcast_in_dim3A_1192 = vector.broadcast %jit3A_1190 : i32 to vector<16xi32>
    %broadcast_in_dim3A_1193 = vector.broadcast %jit3A_1191 : i32 to vector<16xi32>
    %select_n3A_1194 = arith.select %ge3A_1183, %broadcast_in_dim3A_1192, %broadcast_in_dim3A_1193 : vector<16xi1>, vector<16xi32>
    %swap3A_1195 = arith.constant 112 : index
    %swap3A_1196 = tpu.vector_load %arg9[%swap3A_1195] {strides = array<i32>} : memref<128xi32, #tpu.memory_space<vmem>>, vector<16xi32>,
    tpu.vector_store %arg9[%swap3A_1195], %select_n3A_1194 {strides = array<i32>} : memref<128xi32, #tpu.memory_space<vmem>>, vector<16xi32>,
    %dma_start3A_1197 = arith.constant 0 : i32
    %dma_start3A_1198 = arith.constant 0 : i32
    %dma_start3A_1199 = tpu.memref_slice %arg4[%dma_start3A_1197, %dma_start3A_1198] : memref<503808x128xf32, #tpu.memory_space<hbm>> -> memref<503808x128xf32, #tpu.memory_space<hbm>>
    tpu.enqueue_indirect_dma source(%dma_start3A_1199 : memref<503808x128xf32, #tpu.memory_space<hbm>>) target(%arg11 : memref<128x128xf32, #tpu.memory_space<vmem>>) offsets(%arg16 : memref<128xi32, #tpu.memory_space<vmem>>) semaphore(%arg20 : memref<!tpu.dma_semaphore, #tpu.memory_space<semaphore_mem>>)
    %dma_start3A_1200 = arith.constant 0 : i32
    %dma_start3A_1201 = arith.constant 0 : i32
    %dma_start3A_1202 = tpu.memref_slice %arg4[%dma_start3A_1200, %dma_start3A_1201] : memref<503808x128xf32, #tpu.memory_space<hbm>> -> memref<503808x128xf32, #tpu.memory_space<hbm>>
    tpu.enqueue_indirect_dma source(%dma_start3A_1202 : memref<503808x128xf32, #tpu.memory_space<hbm>>) target(%arg13 : memref<128x128xf32, #tpu.memory_space<vmem>>) offsets(%arg18 : memref<128xi32, #tpu.memory_space<vmem>>) semaphore(%arg20 : memref<!tpu.dma_semaphore, #tpu.memory_space<semaphore_mem>>)
    %dma_wait3A_1203 = arith.constant 0 : i32
    %dma_wait3A_1204 = arith.constant 0 : i32
    %dma_wait3A_1205 = tpu.memref_slice %arg4[%dma_wait3A_1203, %dma_wait3A_1204] : memref<503808x128xf32, #tpu.memory_space<hbm>> -> memref<503808x128xf32, #tpu.memory_space<hbm>>
    tpu.wait_indirect_dma semaphore(%arg19 : memref<!tpu.dma_semaphore, #tpu.memory_space<semaphore_mem>>) src(%dma_wait3A_1205 : memref<503808x128xf32, #tpu.memory_space<hbm>>) dst(%arg10 : memref<128x128xf32, #tpu.memory_space<vmem>>)
    %dma_wait3A_1206 = arith.constant 0 : i32
    %dma_wait3A_1207 = arith.constant 0 : i32
    %dma_wait3A_1208 = tpu.memref_slice %arg4[%dma_wait3A_1206, %dma_wait3A_1207] : memref<503808x128xf32, #tpu.memory_space<hbm>> -> memref<503808x128xf32, #tpu.memory_space<hbm>>
    tpu.wait_indirect_dma semaphore(%arg19 : memref<!tpu.dma_semaphore, #tpu.memory_space<semaphore_mem>>) src(%dma_wait3A_1208 : memref<503808x128xf32, #tpu.memory_space<hbm>>) dst(%arg12 : memref<128x128xf32, #tpu.memory_space<vmem>>)
    %scan3A_1209 = arith.constant 0 : i32
    %scan3A_1210 = arith.constant 0 : i32
    %scan3A_1211 = arith.constant 8 : i32
    %scan3A_1212 = arith.addi %scan3A_1210, %scan3A_1211 : i32
    %scan3A_1213 = arith.constant 1 : i32
    %scan3A_1214 = scf.for %scan3A_1229 = %scan3A_1210 to %scan3A_1212 step %scan3A_1213 iter_args(%scan3A_1230 = %scan3A_1209) -> (i32)  : i32 {
      %iota3A = tpu.iota {dimensions = array<i32: 0>} : vector<16xi32>
      %mul3A_1231 = arith.constant 16 : i32
      %mul3A_1232 = arith.muli %scan3A_1229, %mul3A_1231 : i32
      %add3A_1233 = vector.broadcast %mul3A_1232 : i32 to vector<16xi32>
      %add3A_1234 = arith.addi %iota3A, %add3A_1233 : vector<16xi32>
      %mul3A_1235 = arith.constant 16 : i32
      %mul3A_1236 = arith.muli %scan3A_1229, %mul3A_1235 : i32
      %get3A_1237 = arith.index_cast %mul3A_1236 : i32 to index
      %get3A_1238 = tpu.vector_load %arg6[%get3A_1237] {strides = array<i32>} : memref<128xi32, #tpu.memory_space<vmem>>, vector<16xi32>,
      %mul3A_1239 = arith.constant 16 : i32
      %mul3A_1240 = arith.muli %scan3A_1229, %mul3A_1239 : i32
      %get3A_1241 = arith.index_cast %mul3A_1240 : i32 to index
      %get3A_1242 = tpu.vector_load %arg8[%get3A_1241] {strides = array<i32>} : memref<128xi32, #tpu.memory_space<vmem>>, vector<16xi32>,
      %broadcast_in_dim3A_1243 = arith.constant 0.000000e+00 : f32
      %broadcast_in_dim3A_1244 = vector.broadcast %broadcast_in_dim3A_1243 : f32 to vector<16xf32>
      %scan3A_1245 = arith.constant 0 : i32
      %scan3A_1246 = arith.constant 64 : i32
      %scan3A_1247 = arith.addi %scan3A_1245, %scan3A_1246 : i32
      %scan3A_1248 = arith.constant 1 : i32
      %scan3A_1249 = scf.for %scan3A_1263 = %scan3A_1245 to %scan3A_1247 step %scan3A_1248 iter_args(%scan3A_1264 = %broadcast_in_dim3A_1244) -> (vector<16xf32>)  : i32 {
        %add3A_1265 = vector.broadcast %scan3A_1263 : i32 to vector<16xi32>
        %add3A_1266 = arith.addi %get3A_1238, %add3A_1265 : vector<16xi32>
        %gather3A = tpu.vector_load_idx %arg10[%add3A_1234, %add3A_1266] : memref<128x128xf32, #tpu.memory_space<vmem>>[vector<16xi32>, vector<16xi32>], vector<16xf32>,
        %add3A_1267 = vector.broadcast %scan3A_1263 : i32 to vector<16xi32>
        %add3A_1268 = arith.addi %get3A_1242, %add3A_1267 : vector<16xi32>
        %gather3A_1269 = tpu.vector_load_idx %arg12[%add3A_1234, %add3A_1268] : memref<128x128xf32, #tpu.memory_space<vmem>>[vector<16xi32>, vector<16xi32>], vector<16xf32>,
        %mul3A_1270 = arith.mulf %gather3A, %gather3A_1269 : vector<16xf32>
        %add3A_1271 = arith.addf %scan3A_1264, %mul3A_1270 : vector<16xf32>
        scf.yield %add3A_1271 : vector<16xf32>
      }
      %scan3A_1250 = arith.constant 64 : i32
      %neg3A = arith.constant 0.000000e+00 : f32
      %neg3A_1251 = vector.broadcast %neg3A : f32 to vector<16xf32>
      %neg3A_1252 = arith.subf %neg3A_1251, %scan3A_1249 : vector<16xf32>
      %exp3A = math.exp %neg3A_1252 : vector<16xf32>
      %add3A_1253 = arith.constant 1.000000e+00 : f32
      %add3A_1254 = vector.broadcast %add3A_1253 : f32 to vector<16xf32>
      %add3A_1255 = arith.addf %add3A_1254, %exp3A : vector<16xf32>
      %div3A = arith.divf %exp3A, %add3A_1255 : vector<16xf32>
      %mul3A_1256 = arith.constant 16 : i32
      %mul3A_1257 = arith.muli %scan3A_1229, %mul3A_1256 : i32
      %add3A_1258 = arith.constant 256 : i32
      %add3A_1259 = arith.addi %add3A_1258, %mul3A_1257 : i32
      %swap3A_1260 = arith.index_cast %add3A_1259 : i32 to index
      %swap3A_1261 = tpu.vector_load %arg14[%swap3A_1260] {strides = array<i32>} : memref<512xf32, #tpu.memory_space<vmem>>, vector<16xf32>,
      tpu.vector_store %arg14[%swap3A_1260], %div3A {strides = array<i32>} : memref<512xf32, #tpu.memory_space<vmem>>, vector<16xf32>,
      %scan3A_1262 = arith.constant 0 : i32
      scf.yield %scan3A_1262 : i32
    }
    %scan3A_1215 = arith.constant 8 : i32
    %dma_wait3A_1216 = arith.constant 0 : i32
    %dma_wait3A_1217 = arith.constant 0 : i32
    %dma_wait3A_1218 = tpu.memref_slice %arg4[%dma_wait3A_1216, %dma_wait3A_1217] : memref<503808x128xf32, #tpu.memory_space<hbm>> -> memref<503808x128xf32, #tpu.memory_space<hbm>>
    tpu.wait_indirect_dma semaphore(%arg20 : memref<!tpu.dma_semaphore, #tpu.memory_space<semaphore_mem>>) src(%dma_wait3A_1218 : memref<503808x128xf32, #tpu.memory_space<hbm>>) dst(%arg11 : memref<128x128xf32, #tpu.memory_space<vmem>>)
    %dma_wait3A_1219 = arith.constant 0 : i32
    %dma_wait3A_1220 = arith.constant 0 : i32
    %dma_wait3A_1221 = tpu.memref_slice %arg4[%dma_wait3A_1219, %dma_wait3A_1220] : memref<503808x128xf32, #tpu.memory_space<hbm>> -> memref<503808x128xf32, #tpu.memory_space<hbm>>
    tpu.wait_indirect_dma semaphore(%arg20 : memref<!tpu.dma_semaphore, #tpu.memory_space<semaphore_mem>>) src(%dma_wait3A_1221 : memref<503808x128xf32, #tpu.memory_space<hbm>>) dst(%arg13 : memref<128x128xf32, #tpu.memory_space<vmem>>)
    %scan3A_1222 = arith.constant 0 : i32
    %scan3A_1223 = arith.constant 0 : i32
    %scan3A_1224 = arith.constant 8 : i32
    %scan3A_1225 = arith.addi %scan3A_1223, %scan3A_1224 : i32
    %scan3A_1226 = arith.constant 1 : i32
    %scan3A_1227 = scf.for %scan3A_1229 = %scan3A_1223 to %scan3A_1225 step %scan3A_1226 iter_args(%scan3A_1230 = %scan3A_1222) -> (i32)  : i32 {
      %iota3A = tpu.iota {dimensions = array<i32: 0>} : vector<16xi32>
      %mul3A_1231 = arith.constant 16 : i32
      %mul3A_1232 = arith.muli %scan3A_1229, %mul3A_1231 : i32
      %add3A_1233 = vector.broadcast %mul3A_1232 : i32 to vector<16xi32>
      %add3A_1234 = arith.addi %iota3A, %add3A_1233 : vector<16xi32>
      %mul3A_1235 = arith.constant 16 : i32
      %mul3A_1236 = arith.muli %scan3A_1229, %mul3A_1235 : i32
      %get3A_1237 = arith.index_cast %mul3A_1236 : i32 to index
      %get3A_1238 = tpu.vector_load %arg7[%get3A_1237] {strides = array<i32>} : memref<128xi32, #tpu.memory_space<vmem>>, vector<16xi32>,
      %mul3A_1239 = arith.constant 16 : i32
      %mul3A_1240 = arith.muli %scan3A_1229, %mul3A_1239 : i32
      %get3A_1241 = arith.index_cast %mul3A_1240 : i32 to index
      %get3A_1242 = tpu.vector_load %arg9[%get3A_1241] {strides = array<i32>} : memref<128xi32, #tpu.memory_space<vmem>>, vector<16xi32>,
      %broadcast_in_dim3A_1243 = arith.constant 0.000000e+00 : f32
      %broadcast_in_dim3A_1244 = vector.broadcast %broadcast_in_dim3A_1243 : f32 to vector<16xf32>
      %scan3A_1245 = arith.constant 0 : i32
      %scan3A_1246 = arith.constant 64 : i32
      %scan3A_1247 = arith.addi %scan3A_1245, %scan3A_1246 : i32
      %scan3A_1248 = arith.constant 1 : i32
      %scan3A_1249 = scf.for %scan3A_1263 = %scan3A_1245 to %scan3A_1247 step %scan3A_1248 iter_args(%scan3A_1264 = %broadcast_in_dim3A_1244) -> (vector<16xf32>)  : i32 {
        %add3A_1265 = vector.broadcast %scan3A_1263 : i32 to vector<16xi32>
        %add3A_1266 = arith.addi %get3A_1238, %add3A_1265 : vector<16xi32>
        %gather3A = tpu.vector_load_idx %arg11[%add3A_1234, %add3A_1266] : memref<128x128xf32, #tpu.memory_space<vmem>>[vector<16xi32>, vector<16xi32>], vector<16xf32>,
        %add3A_1267 = vector.broadcast %scan3A_1263 : i32 to vector<16xi32>
        %add3A_1268 = arith.addi %get3A_1242, %add3A_1267 : vector<16xi32>
        %gather3A_1269 = tpu.vector_load_idx %arg13[%add3A_1234, %add3A_1268] : memref<128x128xf32, #tpu.memory_space<vmem>>[vector<16xi32>, vector<16xi32>], vector<16xf32>,
        %mul3A_1270 = arith.mulf %gather3A, %gather3A_1269 : vector<16xf32>
        %add3A_1271 = arith.addf %scan3A_1264, %mul3A_1270 : vector<16xf32>
        scf.yield %add3A_1271 : vector<16xf32>
      }
      %scan3A_1250 = arith.constant 64 : i32
      %neg3A = arith.constant 0.000000e+00 : f32
      %neg3A_1251 = vector.broadcast %neg3A : f32 to vector<16xf32>
      %neg3A_1252 = arith.subf %neg3A_1251, %scan3A_1249 : vector<16xf32>
      %exp3A = math.exp %neg3A_1252 : vector<16xf32>
      %add3A_1253 = arith.constant 1.000000e+00 : f32
      %add3A_1254 = vector.broadcast %add3A_1253 : f32 to vector<16xf32>
      %add3A_1255 = arith.addf %add3A_1254, %exp3A : vector<16xf32>
      %div3A = arith.divf %exp3A, %add3A_1255 : vector<16xf32>
      %mul3A_1256 = arith.constant 16 : i32
      %mul3A_1257 = arith.muli %scan3A_1229, %mul3A_1256 : i32
      %add3A_1258 = arith.constant 384 : i32
      %add3A_1259 = arith.addi %add3A_1258, %mul3A_1257 : i32
      %swap3A_1260 = arith.index_cast %add3A_1259 : i32 to index
      %swap3A_1261 = tpu.vector_load %arg14[%swap3A_1260] {strides = array<i32>} : memref<512xf32, #tpu.memory_space<vmem>>, vector<16xf32>,
      tpu.vector_store %arg14[%swap3A_1260], %div3A {strides = array<i32>} : memref<512xf32, #tpu.memory_space<vmem>>, vector<16xf32>,
      %scan3A_1262 = arith.constant 0 : i32
      scf.yield %scan3A_1262 : i32
    }
    %scan3A_1228 = arith.constant 8 : i32
    "tpu.region"() ({
      %run_scoped3A = tpu.sem_alloc : memref<!tpu.dma_semaphore, #tpu.memory_space<semaphore_mem>>
      %dma_start3A_1229 = tpu.memref_slice %arg5[%mul3A_2] : memref<16384xf32, #tpu.memory_space<hbm>> -> memref<512xf32, #tpu.memory_space<hbm>>
      %dma_start3A_1230 = tpu.memref_slice %arg5[%mul3A_2] : memref<16384xf32, #tpu.memory_space<hbm>> -> memref<512xf32, #tpu.memory_space<hbm>>
      tpu.enqueue_dma source(%arg14 : memref<512xf32, #tpu.memory_space<vmem>>) target(%dma_start3A_1230 : memref<512xf32, #tpu.memory_space<hbm>>) target_semaphore(%run_scoped3A : memref<!tpu.dma_semaphore, #tpu.memory_space<semaphore_mem>>)
      %dma_wait3A_1231 = tpu.memref_slice %arg5[%mul3A_2] : memref<16384xf32, #tpu.memory_space<hbm>> -> memref<512xf32, #tpu.memory_space<hbm>>
      %dma_wait3A_1232 = tpu.memref_slice %arg5[%mul3A_2] : memref<16384xf32, #tpu.memory_space<hbm>> -> memref<512xf32, #tpu.memory_space<hbm>>
      tpu.wait_dma2 semaphore(%run_scoped3A : memref<!tpu.dma_semaphore, #tpu.memory_space<semaphore_mem>>) src(%arg14 : memref<512xf32, #tpu.memory_space<vmem>>) dst(%dma_wait3A_1232 : memref<512xf32, #tpu.memory_space<hbm>>)
      tpu.yield
    }) : () -> ()
    return
  }
}

module attributes {stable_mosaic.version = 14 : i64} {
  func.func @_mod_body(%arg0: i32, %arg1: memref<64x4096xf32, #tpu.memory_space<vmem>>, %arg2: memref<64x4096xf32, #tpu.memory_space<vmem>>, %arg3: memref<64x4096xf32, #tpu.memory_space<vmem>>, %arg4: memref<64x4096xf32, #tpu.memory_space<vmem>>, %arg5: memref<4096x128xf32, #tpu.memory_space<vmem>>) attributes {dimension_semantics = [#tpu.dimension_semantics<arbitrary>], iteration_bounds = array<i64: 123>, scalar_prefetch = 0 : i64, scratch_operands = 0 : i64, tpu.core_type = #tpu.core_type<tc>, window_params = [{transform_indices = @transform_0, window_bounds = array<i64: 64, 4096>}, {transform_indices = @transform_1, window_bounds = array<i64: 64, 4096>}, {transform_indices = @transform_2, window_bounds = array<i64: 64, 4096>}, {transform_indices = @transform_3, window_bounds = array<i64: 64, 4096>}, {transform_indices = @transform_4, window_bounds = array<i64: 4096, 128>}]} {
    %iota3A = tpu.iota {dimensions = array<i32: 0>} : vector<64x64xi32>
    %iota3A_0 = tpu.iota {dimensions = array<i32: 1>} : vector<64x64xi32>
    %add3A = arith.constant 0 : i32
    %add3A_1 = vector.broadcast %add3A : i32 to vector<64x64xi32>
    %add3A_2 = arith.addi %iota3A, %add3A_1 : vector<64x64xi32>
    %eq3A = arith.cmpi eq, %add3A_2, %iota3A_0 : vector<64x64xi32>
    %convert_element_type3A = arith.extui %eq3A : vector<64x64xi1> to vector<64x64xi32>
    %convert_element_type3A_3 = arith.sitofp %convert_element_type3A : vector<64x64xi32> to vector<64x64xf32>
    %get3A = arith.constant 0 : index
    %get3A_4 = arith.constant 0 : index
    %get3A_5 = vector.load %arg1[%get3A, %get3A_4] : memref<64x4096xf32, #tpu.memory_space<vmem>>, vector<64x4096xf32>
    %get3A_6 = arith.constant 0 : index
    %get3A_7 = arith.constant 0 : index
    %get3A_8 = vector.load %arg1[%get3A_6, %get3A_7] : memref<64x4096xf32, #tpu.memory_space<vmem>>, vector<64x4096xf32>
    %mul3A = arith.mulf %get3A_5, %get3A_8 : vector<64x4096xf32>
    %get3A_9 = arith.constant 0 : index
    %get3A_10 = arith.constant 0 : index
    %get3A_11 = vector.load %arg2[%get3A_9, %get3A_10] : memref<64x4096xf32, #tpu.memory_space<vmem>>, vector<64x4096xf32>
    %get3A_12 = arith.constant 0 : index
    %get3A_13 = arith.constant 0 : index
    %get3A_14 = vector.load %arg2[%get3A_12, %get3A_13] : memref<64x4096xf32, #tpu.memory_space<vmem>>, vector<64x4096xf32>
    %mul3A_15 = arith.mulf %get3A_11, %get3A_14 : vector<64x4096xf32>
    %add3A_16 = arith.addf %mul3A, %mul3A_15 : vector<64x4096xf32>
    %sqrt3A = math.sqrt %add3A_16 : vector<64x4096xf32>
    %get3A_17 = arith.constant 0 : index
    %get3A_18 = arith.constant 0 : index
    %get3A_19 = vector.load %arg3[%get3A_17, %get3A_18] : memref<64x4096xf32, #tpu.memory_space<vmem>>, vector<64x4096xf32>
    %get3A_20 = arith.constant 0 : index
    %get3A_21 = arith.constant 0 : index
    %get3A_22 = vector.load %arg3[%get3A_20, %get3A_21] : memref<64x4096xf32, #tpu.memory_space<vmem>>, vector<64x4096xf32>
    %mul3A_23 = arith.mulf %get3A_19, %get3A_22 : vector<64x4096xf32>
    %get3A_24 = arith.constant 0 : index
    %get3A_25 = arith.constant 0 : index
    %get3A_26 = vector.load %arg4[%get3A_24, %get3A_25] : memref<64x4096xf32, #tpu.memory_space<vmem>>, vector<64x4096xf32>
    %get3A_27 = arith.constant 0 : index
    %get3A_28 = arith.constant 0 : index
    %get3A_29 = vector.load %arg4[%get3A_27, %get3A_28] : memref<64x4096xf32, #tpu.memory_space<vmem>>, vector<64x4096xf32>
    %mul3A_30 = arith.mulf %get3A_26, %get3A_29 : vector<64x4096xf32>
    %add3A_31 = arith.addf %mul3A_23, %mul3A_30 : vector<64x4096xf32>
    %sqrt3A_32 = math.sqrt %add3A_31 : vector<64x4096xf32>
    %dot_general3A = arith.constant dense<0.000000e+00> : vector<4096x64xf32>
    %dot_general3A_33 = tpu.matmul %sqrt3A, %convert_element_type3A_3, %dot_general3A {dimension_numbers = #tpu.dot_dimension_numbers<[0], [0], [1], [1], [0, 1, 1, 1], [], []>, transpose_lhs_hint = false} : vector<64x4096xf32>, vector<64x64xf32>, vector<4096x64xf32> -> vector<4096x64xf32>
    %swap3A = arith.constant 0 : index
    %swap3A_34 = arith.constant 0 : index
    %swap3A_35 = vector.load %arg5[%swap3A, %swap3A_34] : memref<4096x128xf32, #tpu.memory_space<vmem>>, vector<4096x64xf32>
    tpu.vector_store %arg5[%swap3A, %swap3A_34], %dot_general3A_33 {strides = array<i32>} : memref<4096x128xf32, #tpu.memory_space<vmem>>, vector<4096x64xf32>,
    %dot_general3A_36 = arith.constant dense<0.000000e+00> : vector<4096x64xf32>
    %dot_general3A_37 = tpu.matmul %sqrt3A_32, %convert_element_type3A_3, %dot_general3A_36 {dimension_numbers = #tpu.dot_dimension_numbers<[0], [0], [1], [1], [0, 1, 1, 1], [], []>, transpose_lhs_hint = false} : vector<64x4096xf32>, vector<64x64xf32>, vector<4096x64xf32> -> vector<4096x64xf32>
    %swap3A_38 = arith.constant 0 : index
    %swap3A_39 = arith.constant 64 : index
    %swap3A_40 = vector.load %arg5[%swap3A_38, %swap3A_39] : memref<4096x128xf32, #tpu.memory_space<vmem>>, vector<4096x64xf32>
    tpu.vector_store %arg5[%swap3A_38, %swap3A_39], %dot_general3A_37 {strides = array<i32>} : memref<4096x128xf32, #tpu.memory_space<vmem>>, vector<4096x64xf32>,
    return
  }
  func.func @transform_0(%arg0: i32) -> (i32, i32) {
    %c0_i32 = arith.constant 0 : i32
    %c0_i32_0 = arith.constant 0 : i32
    return %c0_i32, %arg0 : i32, i32
  }
  func.func @transform_1(%arg0: i32) -> (i32, i32) {
    %c0_i32 = arith.constant 0 : i32
    %c0_i32_0 = arith.constant 0 : i32
    return %c0_i32, %arg0 : i32, i32
  }
  func.func @transform_2(%arg0: i32) -> (i32, i32) {
    %add3A = arith.constant 123 : i32
    %add3A_0 = arith.addi %arg0, %add3A : i32
    %sub3A = arith.constant 1 : i32
    %sub3A_1 = arith.subi %add3A_0, %sub3A : i32
    %c0_i32 = arith.constant 0 : i32
    %c0_i32_2 = arith.constant 0 : i32
    return %c0_i32, %sub3A_1 : i32, i32
  }
  func.func @transform_3(%arg0: i32) -> (i32, i32) {
    %add3A = arith.constant 123 : i32
    %add3A_0 = arith.addi %arg0, %add3A : i32
    %sub3A = arith.constant 1 : i32
    %sub3A_1 = arith.subi %add3A_0, %sub3A : i32
    %c0_i32 = arith.constant 0 : i32
    %c0_i32_2 = arith.constant 0 : i32
    return %c0_i32, %sub3A_1 : i32, i32
  }
  func.func @transform_4(%arg0: i32) -> (i32, i32) {
    %c0_i32 = arith.constant 0 : i32
    %c0_i32_0 = arith.constant 0 : i32
    return %arg0, %c0_i32 : i32, i32
  }
}

</mosaic_0001>

<sc_bundles>
// kernel: _rotate_score.4.cloned.1.call-start
scs
__scs_entry_jumppad:
0x0: {  	(pc) =	sbr.rel $0x88, $3  }
0x1: {  	(tag) =	ssettag $0x0;
	lr =	simm.s32 $0x1  }
0x2: {  	[smem:$0x3F9D] =	sst lr;
	_ =	strace $0xD0000000  }
0x3: {  	_ = 	snop  }
0x4: {  	_ = 	snop  }
0x5: {  	_ = 	snop  }
0x6: {  	_ = 	snop  }
0x7: {  	_ = 	snop  }
__scs_overlays_trampoline_lowered:
0x8: {  	[smem:$0x3FAC] =	sst s0  }
0x9: {  	[smem:$0x3FAD] =	sst s1  }
0xa: {  	[smem:$0x3FAE] =	sst s2  }
0xb: {  	[smem:$0x3FAF] =	sst s3  }
0xc: {  	[smem:$0x3FB0] =	sst s4  }
0xd: {  	[smem:$0x3FB1] =	sst s5  }
0xe: {  	[smem:$0x3FB2] =	sst s6  }
0xf: {  	[smem:$0x3FB3] =	sst s7  }
0x10: {  	[smem:$0x3FB4] =	sst s8  }
0x11: {  	[smem:$0x3FB5] =	sst s9;
	s0 =	simm.s32 @!p0 $0x0  }
0x12: {  	s1 =	sld [smem:$0x3F9B];
	s0 =	simm.s32 @p0 $0x1  }
0x13: {  	[smem:$0x3FB6] =	sst s0;
	s0 =	simm.s32 @!p1 $0x0  }
0x14: {  	s2 =	sld [smem:$0x3F9A];
	s0 =	simm.s32 @p1 $0x1  }
0x15: {  	[smem:$0x3FB7] =	sst s0;
	s0 =	simm.s32 @!p2 $0x0  }
0x16: {  	s3 =	sld [smem:$0x3FDB];
	s0 =	simm.s32 @p2 $0x1  }
0x17: {  	s4 =	simm.s32 $0x1BF5;
	[smem:$0x3FB9] =	sst s0  }
0x18: {  	s0 =	sld [smem:$0x3F9C];
	_ =	swait.ge [sflag:s4], $0x0  }
0x19: {  	s7 =	sld [smem:$0x3F9D]  }
0x1a: {  	s8 =	sadd.s32 $0xFFFFE003, lr  }
0x1b: {  	s9 =	sadd.s32 $0xFFFFFEF7, lr;
	s5 =	simm.s32 $0xFFFFFFFF;
	p2 =	slt.u32 s8, $0xFFFFF086  }
0x1c: {  	p1 =	slt.u32 s9, $0xF7A;
	s5 =	simm.s32 @!p2 $0x0  }
0x1d: {  	s5 =	simm.s32 @p1 $0x1;
	p0 =	seq.s32 s7, s2  }
0x1e: {  	s7 =	smul.u32 @!p0 $0xF7A, s2;
	p2 =	seq.s32 @!p0 s5, $0x0  }
0x1f: {  	s9 =	smul.u32 $0xF7A, s1;
	s8 =	simm.s32 @!p0 $0x1BF5;
	p2 =	por !p2, p0  }
0x20: {  	[sflag:s8] =	ssyncset.s32 @!p0 $0xFFFFF086;
	s6 =	sadd.s32 @!p0 s3, s7;
	s7 =	simm.s32 @!p0 $0x108  }
0x21: {  	s3 =	sadd.s32 s3, s9;
	s6 =	sadd.s32 @!p0 $0x88, s6;
	s7 =	simm.s32 @p2 $0x1082  }
0x22: {  	[simem:s7], [sflag:s8] =	dma.local @!p0 [hbm:s6], $0xF7A  }
0x23: {  	s9 =	sor.u32 $0xD0000000, s2;
	s6 =	simm.s32 $0x108;
	_ =	swait.ge @!p0 [sflag:s8], $0x0  }
0x24: {  	s3 =	sadd.s32 $0x88, s3;
	s6 =	simm.s32 @!p1 $0x1082;
	[sflag:s4] =	ssyncset.s32 $0xFFFFF086  }
0x25: {  	[simem:s6], [sflag:s4] =	dma.local [hbm:s3], $0xF7A  }
0x26: {  	[smem:$0x3F9D] =	sst s1;
	(tag) =	ssettag s2;
	_ =	strace s9  }
0x27: {  	s1 =	sld [smem:$0x3FAD]  }
0x28: {  	s2 =	sld [smem:$0x3FAE]  }
0x29: {  	s4 =	sld [smem:$0x3FB0]  }
0x2a: {  	p0 =	seq.s32 s5, $0x0;
	s5 =	sld [smem:$0x3FB1]  }
0x2b: {  	s6 =	sld [smem:$0x3FB2]  }
0x2c: {  	s7 =	sld [smem:$0x3FB3]  }
0x2d: {  	s3 =	simm.s32 $0x108;
	s8 =	sld [smem:$0x3FB4]  }
0x2e: {  	s3 =	simm.s32 @!p0 $0x1082;
	s9 =	sld [smem:$0x3FB5]  }
0x2f: {  	lr =	sadd.s32 s0, s3;
	s0 =	sld [smem:$0x3FAC]  }
0x30: {  	s3 =	sld [smem:$0x3FAF]  }
0x31: {  	[smem:$0x3FB8] =	sst s10  }
0x32: {  	s10 =	sld [smem:$0x3FB6];
	_ =	sdelay $0x3  }
0x33: {  	p0 =	seq.s32 s10, $0x1;
	s10 =	sld [smem:$0x3FB8];
	_ =	sdelay $0x3  }
0x34: {  	[smem:$0x3FB8] =	sst s10  }
0x35: {  	s10 =	sld [smem:$0x3FB7];
	_ =	sdelay $0x3  }
0x36: {  	p1 =	seq.s32 s10, $0x1;
	s10 =	sld [smem:$0x3FB8];
	_ =	sdelay $0x3  }
0x37: {  	[smem:$0x3FB8] =	sst s10  }
0x38: {  	s10 =	sld [smem:$0x3FB9]  }
0x39: {  	_ = 	snop;
	(pc) =	sbr.ind lr, $3  }
0x3a: {  	_ = 	snop  }
0x3b: {  	_ = 	snop  }
0x3c: {  	p2 =	seq.s32 s10, $0x1;
	s10 =	sld [smem:$0x3FB8]  }
0x3d: {  	_ =	shalt  }
0x3e: {  	_ =	shalt  }
0x3f: {  	_ =	shalt  }
0x40: {  	_ =	shalt  }
0x41: {  	_ =	shalt  }
0x42: {  	_ =	shalt  }
0x43: {  	_ =	shalt  }
0x44: {  	_ =	shalt  }
0x45: {  	_ =	shalt  }
0x46: {  	_ =	shalt  }
0x47: {  	_ =	shalt  }
0x48: {  	_ =	shalt  }
0x49: {  	_ =	shalt  }
0x4a: {  	_ =	shalt  }
0x4b: {  	_ =	shalt  }
0x4c: {  	_ =	shalt  }
0x4d: {  	_ =	shalt  }
0x4e: {  	_ =	shalt  }
0x4f: {  	_ =	shalt  }
0x50: {  	_ =	shalt  }
0x51: {  	_ =	shalt  }
0x52: {  	_ =	shalt  }
0x53: {  	_ =	shalt  }
0x54: {  	_ =	shalt  }
0x55: {  	_ =	shalt  }
0x56: {  	_ =	shalt  }
0x57: {  	_ =	shalt  }
0x58: {  	_ =	shalt  }
0x59: {  	_ =	shalt  }
0x5a: {  	_ =	shalt  }
0x5b: {  	_ =	shalt  }
0x5c: {  	_ =	shalt  }
0x5d: {  	_ =	shalt  }
0x5e: {  	_ =	shalt  }
0x5f: {  	_ =	shalt  }
0x60: {  	_ =	shalt  }
0x61: {  	_ =	shalt  }
0x62: {  	_ =	shalt  }
0x63: {  	_ =	shalt  }
0x64: {  	_ =	shalt  }
0x65: {  	_ =	shalt  }
0x66: {  	_ =	shalt  }
0x67: {  	_ =	shalt  }
0x68: {  	_ =	shalt  }
0x69: {  	_ =	shalt  }
0x6a: {  	_ =	shalt  }
0x6b: {  	_ =	shalt  }
0x6c: {  	_ =	shalt  }
0x6d: {  	_ =	shalt  }
0x6e: {  	_ =	shalt  }
0x6f: {  	_ =	shalt  }
0x70: {  	_ =	shalt  }
0x71: {  	_ =	shalt  }
0x72: {  	_ =	shalt  }
0x73: {  	_ =	shalt  }
0x74: {  	_ =	shalt  }
0x75: {  	_ =	shalt  }
0x76: {  	_ =	shalt  }
0x77: {  	_ =	shalt  }
0x78: {  	_ =	shalt  }
0x79: {  	_ =	shalt  }
0x7a: {  	_ =	shalt  }
0x7b: {  	_ =	shalt  }
0x7c: {  	_ =	shalt  }
0x7d: {  	_ =	shalt  }
0x7e: {  	_ =	shalt  }
0x7f: {  	_ =	shalt  }
0x80: {  	_ =	shalt  }
0x81: {  	_ =	shalt  }
0x82: {  	_ =	shalt  }
0x83: {  	_ =	shalt  }
0x84: {  	_ =	shalt  }
0x85: {  	_ =	shalt  }
0x86: {  	_ =	shalt  }
0x87: {  	_ =	shalt  }
.Lfunc_end0:
.L_simem_size_0:
called_computation_lowered:
.L_overlay_start_0:
0x88: {  	s2 =	sld [smem:$0x3FD9]  }
0x89: {  	s3 =	sld [smem:$0x3FFE];
	_ =	sdelay $0x1  }
0x8a: {  	s1 =	srdreg.scid  }
0x8b: {  	s0 =	sand.u32 $0x1, s1  }
0x8c: {  	s17 =	sshll.u32 s0, $0xA;
	s2 =	sadd.s32 s3, s2  }
0x8d: {  	s2 =	sadd.s32 s2, s17  }
0x8e: {  	[smem:$0x3FC4] =	sst s2  }
0x8f: {  	_ = 	snop  }
0x90: {  	s2 =	sld [smem:$0x3FC9]  }
0x91: {  	s18 =	sld [smem:$0x3FC8]  }
0x92: {  	s4 =	sld [smem:$0x3FD0];
	(tm) =	ssettm $0x1  }
0x93: {  	s5 =	sld [smem:$0x3FFB];
	_ =	sdelay $0x3  }
0x94: {  	_ =	strace s5  }
0x95: {  	s5 =	sld [smem:$0x3FFC];
	_ =	sdelay $0x3  }
0x96: {  	_ =	strace s5  }
0x97: {  	s5 =	sld [smem:$0x3FFD];
	_ =	sdelay $0x3  }
0x98: {  	_ =	strace s5  }
0x99: {  	_ =	strace $0x8FFFFFFF  }
0x9a: {  	s19 =	sld [smem:$0x3FDB];
	_ =	sdelay $0x1  }
0x9b: {  	s6 =	simm.s32 $_scs_section_size  }
0x9c: {  	s7 =	simm.s32 $_size__tile_overlayer_lowered;
	s8 =	simm.s32 $_tile_overlayer_lowered  }
0x9d: {  	s22 =	simm.s32 $0x1BFF;
	s21 =	sshll.u32 s8, $0x1;
	s5 =	sadd.s32 s6, s19  }
0x9e: {  	s9 =	simm.s32 $0x0;
	s20 =	sshll.u32 s7, $0x1;
	s7 =	sadd.s32 s21, s5  }
0x9f: {  	[timem:s9], [sflag:s22] =	dma.local [hbm:s7], s20  }
0xa0: {  	_ =	swait.ge [sflag:s22], s20  }
0xa1: {  	s6 =	ssub.s32 $0x0, s20;
	[sflag:s22] =	ssyncset.done $0x0  }
0xa2: {  	[sflag:s22] =	ssyncadd.s32 s6;
	_ =	sdelay $0x1  }
0xa3: {  	s23 =	simm.s32 $0x1B8B  }
0xa4: {  	_ =	swait.ge [sflag:s23], $0x1  }
0xa5: {  	[sflag:s23] =	ssyncset.done $0x0  }
0xa6: {  	s25 =	simm.s32 $0x1B8E;
	s24 =	sld [smem:$0x3FFE];
	[sflag:s23] =	ssyncadd.s32 $0xFFFFFFFF  }
0xa7: {  	s26 =	simm.s32 $execute0_lowered;
	[smem:$0x3FD2] =	sst s25  }
0xa8: {  	s7 =	sshll.u32 s26, $0x1;
	_ =	strace $0x80000046;
	[dreg:$0x1] =	wrdreg $0xFFFFFFFF  }
0xa9: {  	s28 =	simm.s32 $_size_execute0_lowered;
	s5 =	sadd.s32 s5, s7;
	[dreg:$0x0] =	wrdreg $0x0  }
0xaa: {  	s7 =	sshll.u32 s28, $0x1;
	[dreg:$0x2] =	wrdreg s5  }
0xab: {  	[dreg:$0x3] =	wrdreg s7  }
0xac: {  	[dreg:$0x4] =	wrdreg $0xC0  }
0xad: {  	_ =	task [dreg:s9], $0x5FFFF  }
0xae: {  	[dreg:$0x1] =	wrdreg $0xFFFFFFFF  }
0xaf: {  	[dreg:$0x0] =	wrdreg $0x60  }
0xb0: {  	[dreg:$0x2] =	wrdreg s2  }
0xb1: {  	[dreg:$0x3] =	wrdreg s18  }
0xb2: {  	[dreg:$0x4] =	wrdreg s24  }
0xb3: {  	[dreg:$0x5] =	wrdreg s4  }
0xb4: {  	[dreg:$0x6] =	wrdreg $0x9  }
0xb5: {  	_ =	task.clear_ibuf [dreg:s9], $0x7FFFF;
	_ =	strace $0x90000046  }
0xb6: {  	s29 =	simm.s32 $0x9;
	_ =	strace $0x80000048  }
0xb7: {  	_ =	swait.ge [sflag:s29], $0x1  }
0xb8: {  	[sflag:s29] =	ssyncadd.s32 $0xFFFFFFFF  }
0xb9: {  	_ =	strace $0x90000048  }
0xba: {  	_ =	sfence  }
0xbb: {  	s30 =	sld [smem:$0x0];
	_ =	sdelay $0x2  }
0xbc: {  	s31 =	sshll.u32 s1, $0xD;
	s1 =	sshrl.u32 s1, $0x2  }
0xbd: {  	s3 =	sand.u32 $0x4000, s31;
	s1 =	sadd.s32 s1, s30  }
0xbe: {  	s0 =	sor.u32 s3, s0;
	s1 =	sshll.u32 s1, $0x11  }
0xbf: {  	s0 =	sor.u32 s1, s0  }
0xc0: {  	s0 =	sadd.s32 $0x8F2B, s0  }
0xc1: {  	[sflag:s0] =	ssyncadd.remote.s32 $0x1  }
0xc2: {  	_ =	sfence.sel $0xFFFF  }
0xc3: {  	[dreg:$0x0] =	wrdreg $0xFFFFFFFF;
	(pc) =	sbr.abs _section_cstart, $3  }
0xc4: {  	[dreg:$0x1] =	wrdreg $0xFFFFFFFF  }
0xc5: {  	_ =	task.clear_ibuf [dreg:s9], $0x2FFFF;
	_ =	strace $0x9FFFFFFF  }
0xc6: {  	(tm) =	ssettm $0x7FFFFFFF  }
0xc7: {  	_ =	shalt  }
tec
execute0_lowered:
.L_overlay_start_1:
0x0: {  	(tag) =	ssettag $0x1  }
0x1: {  	s0 =	rddreg [dreg:$0x0]  }
0x2: {  	s1 =	rddreg [dreg:$0x1]  }
0x3: {  	s3 =	rddreg [dreg:$0x2]  }
0x4: {  	s4 =	rddreg [dreg:$0x3];
	s2 =	simm.s32 $0x0  }
0x5: {  	s5 =	srdreg.scid;
	s7 =	stileid.u32;
	s15 =	simm.s32 $0x3  }
0x6: {  	s16 =	simm.s32 $0x10700;
	s17 =	simm.s32 $0x80;
	s18 =	simm.s32 $0x10400  }
0x7: {  	s19 =	simm.s32 $0x200;
	s20 =	simm.s32 $0x10500;
	s21 =	simm.s32 $0x8200  }
0x8: {  	s22 =	simm.s32 $0x10680;
	s23 =	simm.s32 $0x10780;
	s24 =	simm.s32 $0x10480  }
0x9: {  	s25 =	simm.s32 $0x4200;
	s26 =	simm.s32 $0x10580;
	s28 =	simm.s32 $0xC200  }
0xa: {  	s29 =	simm.s32 $0x1;
	s30 =	simm.s32 $0x2;
	s5 =	sand.u32 $0x1, s5  }
0xb: {  	[smem:$0x7FF] =	sst s2;
	s7 =	sshll.u32 s7, $0x7;
	s6 =	ssub.s32 $0x2, s5  }
0xc: {  	s3 =	sadd.s32 $0x400, s3;
	s5 =	sshll.u32 s5, $0x6;
	s8 =	sshrl.u32 s6, $0x1  }
0xd: {  	_ =	strace $0x80000047;
	s12 =	sor.u32 s5, s7;
	s13 =	ssub.s32 s6, s8  }
0xe: {  	s7 =	sor.u32 $0x10, s12;
	s5 =	sadd.s32 s0, s12;
	s9 =	sor.u32 $0x20, s12  }
0xf: {  	s11 =	sor.u32 $0x30, s12;
	[dreg:$0x5] =	wrdreg s5;
	s5 =	sadd.s32 s1, s12  }
0x10: {  	s6 =	sadd.s32 s0, s7;
	s7 =	sadd.s32 s1, s7;
	s8 =	sadd.s32 s0, s9  }
0x11: {  	v1 =	vlaneseq.u32;
	s9 =	sadd.s32 s1, s9;
	s10 =	sadd.s32 s0, s11;
	s11 =	sadd.s32 s1, s11  }
0x12: {  	v0 =	vimm.s32 $0x0;
	v1 =	vmul.u32 $0x80, v1;
	s12 =	sadd.s32 s4, s12;
	s13 =	smax.u32 s13, $0x1;
	s0 =	simm.s32 $0x0  }
.LBB2_1:
0x13: {  	s1 =	rddreg [dreg:$0x5];
	s4 =	simm.s32 $0x10600  }
0x14: {  	[tilespmem:s4], [sflag:$0x3] =	stream.linear.gather [hbm4b:s1+s2], $0x80, $0x38;
	[tilespmem:$0x10800] =	vst v63  }
0x15: {  	_ =	swait.ge [sflag:s15], $0x80  }
0x16: {  	[sflag:s15] =	ssyncset.done $0x0  }
0x17: {  	[sflag:s15] =	ssyncadd.s32 $0xFFFFFF80  }
0x18: {  	[tilespmem:s16], [sflag:$0x3] =	stream.linear.gather [hbm4b:s5+s2], $0x80, $0x38;
	[tilespmem:$0x10800] =	vst v63  }
0x19: {  	_ =	swait.ge [sflag:s15], $0x80  }
0x1a: {  	[sflag:s15] =	ssyncset.done $0x0  }
0x1b: {  	[sflag:s15] =	ssyncadd.s32 $0xFFFFFF80  }
0x1c: {  	v2 =	vld [tilespmem:$0x10600];
	_ =	sdelay $0x1  }
0x1d: {  	v3 =	vld [tilespmem:$0x10610];
	_ =	sdelay $0x1  }
0x1e: {  	v4 =	vld [tilespmem:$0x10620]  }
0x1f: {  	vm0 =	vgt.s32 v2, $0x79FFF;
	v5 =	vadd.s32 $0xFFF86000, v2  }
0x20: {  	v19 =	vld [tilespmem:$0x10630];
	v2 =	vsel vm0, v5, v2  }
0x21: {  	vm9 =	vgt.s32 v3, $0x79FFF;
	v6 =	vadd.s32 $0xFFF86000, v3;
	[tilespmem:$0x10400] =	vst v2;
	v2 =	vsel vm0, $0x40, v0  }
0x22: {  	[tilespmem:$0x0] =	vst v2;
	v2 =	vsel vm9, v6, v3;
	v3 =	vld [tilespmem:$0x10640]  }
0x23: {  	vm10 =	vgt.s32 v4, $0x79FFF;
	v20 =	vadd.s32 $0xFFF86000, v4;
	[tilespmem:$0x10410] =	vst v2;
	v2 =	vsel vm9, $0x40, v0  }
0x24: {  	v21 =	vld [tilespmem:$0x10650];
	[tilespmem:$0x10] =	vst v2;
	v2 =	vsel vm10, v20, v4  }
0x25: {  	vm11 =	vgt.s32 v19, $0x79FFF;
	v22 =	vadd.s32 $0xFFF86000, v19;
	[tilespmem:$0x10420] =	vst v2;
	v2 =	vsel vm10, $0x40, v0  }
0x26: {  	v23 =	vld [tilespmem:$0x10660];
	[tilespmem:$0x20] =	vst v2;
	v2 =	vsel vm11, v22, v19  }
0x27: {  	[tilespmem:$0x10430] =	vst v2;
	v2 =	vsel vm11, $0x40, v0;
	vm12 =	vgt.s32 v3, $0x79FFF;
	v24 =	vadd.s32 $0xFFF86000, v3  }
0x28: {  	[tilespmem:$0x30] =	vst v2;
	v2 =	vsel vm12, v24, v3;
	v3 =	vld [tilespmem:$0x10670]  }
0x29: {  	vm13 =	vgt.s32 v21, $0x79FFF;
	v25 =	vadd.s32 $0xFFF86000, v21;
	[tilespmem:$0x10440] =	vst v2;
	v2 =	vsel vm12, $0x40, v0  }
0x2a: {  	v26 =	vld [tilespmem:$0x10700];
	[tilespmem:$0x40] =	vst v2;
	v2 =	vsel vm13, v25, v21  }
0x2b: {  	vm14 =	vgt.s32 v23, $0x79FFF;
	v27 =	vadd.s32 $0xFFF86000, v23;
	[tilespmem:$0x10450] =	vst v2;
	v2 =	vsel vm13, $0x40, v0  }
0x2c: {  	v28 =	vld [tilespmem:$0x10710];
	[tilespmem:$0x50] =	vst v2;
	v2 =	vsel vm14, v27, v23  }
0x2d: {  	[tilespmem:$0x10460] =	vst v2;
	v2 =	vsel vm14, $0x40, v0;
	vm15 =	vgt.s32 v3, $0x79FFF;
	v29 =	vadd.s32 $0xFFF86000, v3  }
0x2e: {  	[tilespmem:$0x60] =	vst v2;
	v2 =	vsel vm15, v29, v3;
	v3 =	vld [tilespmem:$0x10720]  }
0x2f: {  	vm4 =	vgt.s32 v26, $0x79FFF;
	v30 =	vadd.s32 $0xFFF86000, v26;
	[tilespmem:$0x10470] =	vst v2;
	v2 =	vsel vm15, $0x40, v0  }
0x30: {  	v31 =	vld [tilespmem:$0x10730];
	[tilespmem:$0x70] =	vst v2;
	v2 =	vsel vm4, v30, v26  }
0x31: {  	vm5 =	vgt.s32 v28, $0x79FFF;
	v32 =	vadd.s32 $0xFFF86000, v28;
	[tilespmem:$0x10500] =	vst v2;
	v2 =	vsel vm4, $0x40, v0  }
0x32: {  	v33 =	vld [tilespmem:$0x10740];
	[tilespmem:$0x100] =	vst v2;
	v2 =	vsel vm5, v32, v28  }
0x33: {  	[tilespmem:$0x10510] =	vst v2;
	v2 =	vsel vm5, $0x40, v0;
	vm6 =	vgt.s32 v3, $0x79FFF;
	v34 =	vadd.s32 $0xFFF86000, v3  }
0x34: {  	[tilespmem:$0x110] =	vst v2;
	v2 =	vsel vm6, v34, v3;
	v3 =	vld [tilespmem:$0x10750]  }
0x35: {  	vm7 =	vgt.s32 v31, $0x79FFF;
	v35 =	vadd.s32 $0xFFF86000, v31;
	[tilespmem:$0x10520] =	vst v2;
	v2 =	vsel vm6, $0x40, v0  }
0x36: {  	v36 =	vld [tilespmem:$0x10760];
	[tilespmem:$0x120] =	vst v2;
	v2 =	vsel vm7, v35, v31  }
0x37: {  	vm8 =	vgt.s32 v33, $0x79FFF;
	v37 =	vadd.s32 $0xFFF86000, v33;
	[tilespmem:$0x10530] =	vst v2;
	v2 =	vsel vm7, $0x40, v0  }
0x38: {  	v38 =	vld [tilespmem:$0x10770];
	[tilespmem:$0x130] =	vst v2;
	v2 =	vsel vm8, v37, v33  }
0x39: {  	[tilespmem:$0x10540] =	vst v2;
	v2 =	vsel vm8, $0x40, v0;
	vm9 =	vgt.s32 v3, $0x79FFF;
	v39 =	vadd.s32 $0xFFF86000, v3  }
0x3a: {  	[tilespmem:$0x140] =	vst v2;
	v2 =	vsel vm9, v39, v3  }
0x3b: {  	vm10 =	vgt.s32 v36, $0x79FFF;
	v3 =	vadd.s32 $0xFFF86000, v36;
	[tilespmem:$0x10550] =	vst v2;
	v2 =	vsel vm9, $0x40, v0  }
0x3c: {  	[tilespmem:$0x150] =	vst v2;
	v2 =	vsel vm10, v3, v36  }
0x3d: {  	vm11 =	vgt.s32 v38, $0x79FFF;
	v3 =	vadd.s32 $0xFFF86000, v38;
	[tilespmem:$0x10560] =	vst v2;
	v2 =	vsel vm10, $0x40, v0  }
0x3e: {  	[tilespmem:$0x160] =	vst v2;
	v2 =	vsel vm11, v3, v38  }
0x3f: {  	[tilespmem:$0x10570] =	vst v2;
	v2 =	vsel vm11, $0x40, v0  }
0x40: {  	[tilespmem:$0x170] =	vst v2  }
0x41: {  	[tilespmem:s19], [sflag:$0x1] =	stream.indirect.gather [hbm4b:s3+s17], $0x80, s18, s17, $0xb8;
	[tilespmem:$0x10800] =	vst v63  }
0x42: {  	_ = 	snop  }
0x43: {  	[tilespmem:s21], [sflag:$0x1] =	stream.indirect.gather [hbm4b:s3+s17], $0x80, s20, s17, $0xb8;
	[tilespmem:$0x10800] =	vst v63  }
0x44: {  	_ = 	snop  }
0x45: {  	[tilespmem:s22], [sflag:$0x3] =	stream.linear.gather [hbm4b:s6+s2], $0x80, $0x38;
	[tilespmem:$0x10800] =	vst v63  }
0x46: {  	_ =	swait.ge [sflag:s15], $0x80  }
0x47: {  	[sflag:s15] =	ssyncset.done $0x0  }
0x48: {  	[sflag:s15] =	ssyncadd.s32 $0xFFFFFF80  }
0x49: {  	[tilespmem:s23], [sflag:$0x3] =	stream.linear.gather [hbm4b:s7+s2], $0x80, $0x38;
	[tilespmem:$0x10800] =	vst v63  }
0x4a: {  	_ =	swait.ge [sflag:s15], $0x80  }
0x4b: {  	[sflag:s15] =	ssyncset.done $0x0  }
0x4c: {  	[sflag:s15] =	ssyncadd.s32 $0xFFFFFF80  }
0x4d: {  	v2 =	vld [tilespmem:$0x10680];
	_ =	sdelay $0x1  }
0x4e: {  	v3 =	vld [tilespmem:$0x10690];
	_ =	sdelay $0x1  }
0x4f: {  	v40 =	vld [tilespmem:$0x106A0]  }
0x50: {  	vm12 =	vgt.s32 v2, $0x79FFF;
	v41 =	vadd.s32 $0xFFF86000, v2  }
0x51: {  	v42 =	vld [tilespmem:$0x106B0];
	v2 =	vsel vm12, v41, v2  }
0x52: {  	vm13 =	vgt.s32 v3, $0x79FFF;
	v43 =	vadd.s32 $0xFFF86000, v3;
	[tilespmem:$0x10480] =	vst v2;
	v2 =	vsel vm12, $0x40, v0  }
0x53: {  	[tilespmem:$0x80] =	vst v2;
	v2 =	vsel vm13, v43, v3;
	v3 =	vld [tilespmem:$0x106C0]  }
0x54: {  	vm14 =	vgt.s32 v40, $0x79FFF;
	v44 =	vadd.s32 $0xFFF86000, v40;
	[tilespmem:$0x10490] =	vst v2;
	v2 =	vsel vm13, $0x40, v0  }
0x55: {  	v45 =	vld [tilespmem:$0x106D0];
	[tilespmem:$0x90] =	vst v2;
	v2 =	vsel vm14, v44, v40  }
0x56: {  	vm15 =	vgt.s32 v42, $0x79FFF;
	v46 =	vadd.s32 $0xFFF86000, v42;
	[tilespmem:$0x104A0] =	vst v2;
	v2 =	vsel vm14, $0x40, v0  }
0x57: {  	v47 =	vld [tilespmem:$0x106E0];
	[tilespmem:$0xA0] =	vst v2;
	v2 =	vsel vm15, v46, v42  }
0x58: {  	[tilespmem:$0x104B0] =	vst v2;
	v2 =	vsel vm15, $0x40, v0;
	vm4 =	vgt.s32 v3, $0x79FFF;
	v48 =	vadd.s32 $0xFFF86000, v3  }
0x59: {  	[tilespmem:$0xB0] =	vst v2;
	v2 =	vsel vm4, v48, v3;
	v3 =	vld [tilespmem:$0x106F0]  }
0x5a: {  	vm5 =	vgt.s32 v45, $0x79FFF;
	v49 =	vadd.s32 $0xFFF86000, v45;
	[tilespmem:$0x104C0] =	vst v2;
	v2 =	vsel vm4, $0x40, v0  }
0x5b: {  	v50 =	vld [tilespmem:$0x10780];
	[tilespmem:$0xC0] =	vst v2;
	v2 =	vsel vm5, v49, v45  }
0x5c: {  	vm6 =	vgt.s32 v47, $0x79FFF;
	v51 =	vadd.s32 $0xFFF86000, v47;
	[tilespmem:$0x104D0] =	vst v2;
	v2 =	vsel vm5, $0x40, v0  }
0x5d: {  	v52 =	vld [tilespmem:$0x10790];
	[tilespmem:$0xD0] =	vst v2;
	v2 =	vsel vm6, v51, v47  }
0x5e: {  	[tilespmem:$0x104E0] =	vst v2;
	v2 =	vsel vm6, $0x40, v0;
	vm7 =	vgt.s32 v3, $0x79FFF;
	v53 =	vadd.s32 $0xFFF86000, v3  }
0x5f: {  	[tilespmem:$0xE0] =	vst v2;
	v2 =	vsel vm7, v53, v3;
	v3 =	vld [tilespmem:$0x107A0]  }
0x60: {  	vm8 =	vgt.s32 v50, $0x79FFF;
	v54 =	vadd.s32 $0xFFF86000, v50;
	[tilespmem:$0x104F0] =	vst v2;
	v2 =	vsel vm7, $0x40, v0  }
0x61: {  	v55 =	vld [tilespmem:$0x107B0];
	[tilespmem:$0xF0] =	vst v2;
	v2 =	vsel vm8, v54, v50  }
0x62: {  	vm9 =	vgt.s32 v52, $0x79FFF;
	v56 =	vadd.s32 $0xFFF86000, v52;
	[tilespmem:$0x10580] =	vst v2;
	v2 =	vsel vm8, $0x40, v0  }
0x63: {  	v57 =	vld [tilespmem:$0x107C0];
	[tilespmem:$0x180] =	vst v2;
	v2 =	vsel vm9, v56, v52  }
0x64: {  	[tilespmem:$0x10590] =	vst v2;
	v2 =	vsel vm9, $0x40, v0;
	vm10 =	vgt.s32 v3, $0x79FFF;
	v58 =	vadd.s32 $0xFFF86000, v3  }
0x65: {  	[tilespmem:$0x190] =	vst v2;
	v2 =	vsel vm10, v58, v3;
	v3 =	vld [tilespmem:$0x107D0]  }
0x66: {  	vm11 =	vgt.s32 v55, $0x79FFF;
	v59 =	vadd.s32 $0xFFF86000, v55;
	[tilespmem:$0x105A0] =	vst v2;
	v2 =	vsel vm10, $0x40, v0  }
0x67: {  	v60 =	vld [tilespmem:$0x107E0];
	[tilespmem:$0x1A0] =	vst v2;
	v2 =	vsel vm11, v59, v55  }
0x68: {  	v61 =	vadd.s32 $0xFFF86000, v57;
	vm12 =	vgt.s32 v57, $0x79FFF;
	[tilespmem:$0x105B0] =	vst v2;
	v2 =	vsel vm11, $0x40, v0  }
0x69: {  	v62 =	vld [tilespmem:$0x107F0];
	[tilespmem:$0x1B0] =	vst v2;
	v2 =	vsel vm12, v61, v57  }
0x6a: {  	[tilespmem:$0x105C0] =	vst v2;
	v2 =	vsel vm12, $0x40, v0;
	vm13 =	vgt.s32 v3, $0x79FFF;
	v63 =	vadd.s32 $0xFFF86000, v3  }
0x6b: {  	[tilespmem:$0x1C0] =	vst v2;
	v2 =	vsel vm13, v63, v3  }
0x6c: {  	vm14 =	vgt.s32 v60, $0x79FFF;
	v3 =	vadd.s32 $0xFFF86000, v60;
	[tilespmem:$0x105D0] =	vst v2;
	v2 =	vsel vm13, $0x40, v0  }
0x6d: {  	[tilespmem:$0x1D0] =	vst v2;
	v2 =	vsel vm14, v3, v60  }
0x6e: {  	vm15 =	vgt.s32 v62, $0x79FFF;
	v3 =	vadd.s32 $0xFFF86000, v62;
	[tilespmem:$0x105E0] =	vst v2;
	v2 =	vsel vm14, $0x40, v0  }
0x6f: {  	[tilespmem:$0x1E0] =	vst v2;
	v2 =	vsel vm15, v3, v62  }
0x70: {  	[tilespmem:$0x105F0] =	vst v2;
	v2 =	vsel vm15, $0x40, v0  }
0x71: {  	[tilespmem:$0x1F0] =	vst v2  }
0x72: {  	[tilespmem:s25], [sflag:$0x2] =	stream.indirect.gather [hbm4b:s3+s17], $0x80, s24, s17, $0xb8;
	[tilespmem:$0x10800] =	vst v63  }
0x73: {  	_ = 	snop  }
0x74: {  	[tilespmem:s28], [sflag:$0x2] =	stream.indirect.gather [hbm4b:s3+s17], $0x80, s26, s17, $0xb8;
	[tilespmem:$0x10800] =	vst v63  }
0x75: {  	_ =	swait.ge [sflag:s29], $0x4000  }
0x76: {  	[sflag:s29] =	ssyncset.done $0x0  }
0x77: {  	[sflag:s29] =	ssyncadd.s32 $0xFFFFC000  }
0x78: {  	_ =	swait.ge [sflag:s29], $0x4000  }
0x79: {  	[sflag:s29] =	ssyncset.done $0x0  }
0x7a: {  	s1 =	simm.s32 $0x0;
	[sflag:s29] =	ssyncadd.s32 $0xFFFFC000  }
.LBB2_2:
0x7b: {  	s31 =	sshll.u32 s1, $0x4  }
0x7c: {  	v2 =	vld [tilespmem:s31+$0x0]  }
0x7d: {  	v3 =	vld [tilespmem:s31+$0x100];
	_ =	sdelay $0x2  }
0x7e: {  	s4 =	simm.s32 $0x0;
	v4 =	vmov s31  }
0x7f: {  	v4 =	vshll.u32 v4, $0x7;
	v5 =	vadd.s32 s4, v2  }
0x80: {  	v4 =	vor.u32 v1, v4;
	v7 =	vadd.s32 s4, v3;
	v6 =	vand.u32 $0xFFFFFF80, v5  }
0x81: {  	v5 =	vand.u32 $0x7F, v5;
	v8 =	vand.u32 $0xFFFFFF80, v7;
	v6 =	vadd.s32 v4, v6  }
0x82: {  	v7 =	vand.u32 $0x7F, v7;
	v5 =	vor.u32 v5, v6;
	v6 =	vadd.s32 v4, v8  }
0x83: {  	s14 =	simm.s32 $0x1;
	v7 =	vor.u32 v7, v6  }
0x84: {  	v6 =	vadd.s32 s14, v2  }
0x85: {  	v8 =	vadd.s32 s14, v3;
	v9 =	vand.u32 $0xFFFFFF80, v6  }
0x86: {  	v10 =	vand.u32 $0x7F, v6;
	v6 =	vand.u32 $0xFFFFFF80, v8;
	v9 =	vadd.s32 v4, v9  }
0x87: {  	v11 =	vand.u32 $0x7F, v8;
	v12 =	vadd.s32 v4, v6;
	v8 =	vor.u32 v10, v9;
	v5 =	vld.idx.msk [tilespmem:v5+s19+$0x0], $0xffff  }
0x88: {  	v9 =	vor.u32 v11, v12;
	v7 =	vld.idx.msk [tilespmem:v7+s21+$0x0], $0xffff  }
0x89: {  	s14 =	simm.s32 $0x2;
	v6 =	vimm.f32 $0.0e+00  }
.LBB2_3:
0x8a: {  	v10 =	vadd.s32 s14, v2;
	p0 =	sne.s32 s14, $0x3F  }
.Ltmp0:
0x8b: {  	v12 =	vadd.s32 s14, v3;
	s14 =	sadd.s32 $0x1, s14;
	v11 =	vand.u32 $0xFFFFFF80, v10;
	v10 =	vand.u32 $0x7F, v10;
	(pc) =	sbr.rel @p0 .LBB2_3-.Ltmp0, $4  }
0x8c: {  	v13 =	vand.u32 $0xFFFFFF80, v12;
	v12 =	vand.u32 $0x7F, v12;
	v14 =	vmovc v5;
	v11 =	vadd.s32 v4, v11;
	v5 =	vld.idx.msk [tilespmem:v8+s19+$0x0], $0xffff  }
0x8d: {  	v8 =	vor.u32 v10, v11;
	v10 =	vadd.s32 v4, v13;
	v11 =	vmul.f32 v7, v14;
	v7 =	vld.idx.msk [tilespmem:v9+s21+$0x0], $0xffff  }
0x8e: {  	v9 =	vor.u32 v12, v10  }
0x8f: {  	v6 =	vadd.f32 v11, v6  }
0x90: {  	_ =	sdelay $0x3  }
0x91: {  	v2 =	vld.idx.msk [tilespmem:v8+s19+$0x0], $0xffff  }
0x92: {  	v3 =	vld.idx.msk [tilespmem:v9+s21+$0x0], $0xffff;
	_ =	sdelay $0x2  }
0x93: {  	v4 =	vmul.f32 v7, v5;
	_ =	sdelay $0x1  }
0x94: {  	v4 =	vadd.f32 v4, v6;
	v2 =	vmul.f32 v3, v2;
	_ =	sdelay $0x1  }
0x95: {  	v2 =	vadd.f32 v2, v4;
	_ =	sdelay $0x1  }
0x96: {  	v2 =	vsub.f32 $0.0e+00, v2;
	_ =	sdelay $0x1  }
0x97: {  	v2 =	vmul.f32 $1.442695020e+00, v2;
	_ =	sdelay $0x1  }
0x98: {  	(erf) = vpow2.f32 v2;
	_ =	sdelay $0x8  }
0x99: {  	v2 =	vpop (erf)  }
0x9a: {  	v3 =	vadd.f32 $1.000000000e+00, v2;
	_ =	sdelay $0x1  }
0x9b: {  	(erf) = vrcp.f32 v3;
	_ =	sdelay $0x5  }
0x9c: {  	s1 =	sadd.s32 $0x1, s1  }
0x9d: {  	p0 =	sne.s32 s1, $0x8  }
.Ltmp1:
0x9e: {  	_ = 	snop;
	(pc) =	sbr.rel @p0 .LBB2_2-.Ltmp1, $3  }
0x9f: {  	v3 =	vpop (erf)  }
0xa0: {  	v2 =	vmul.f32 v3, v2;
	_ =	sdelay $0x1  }
0xa1: {  	[tilespmem:s31+$0x10200] =	vst v2  }
0xa2: {  	s1 =	simm.s32 $0x0;
	s4 =	simm.s32 $0x10600  }
0xa3: {  	[tilespmem:s4], [sflag:$0x3] =	stream.linear.gather [hbm4b:s8+s1], $0x80, $0x38;
	[tilespmem:$0x10800] =	vst v63  }
0xa4: {  	_ =	swait.ge [sflag:s15], $0x80  }
0xa5: {  	[sflag:s15] =	ssyncset.done $0x0  }
0xa6: {  	[sflag:s15] =	ssyncadd.s32 $0xFFFFFF80  }
0xa7: {  	[tilespmem:s16], [sflag:$0x3] =	stream.linear.gather [hbm4b:s9+s1], $0x80, $0x38;
	[tilespmem:$0x10800] =	vst v63  }
0xa8: {  	_ =	swait.ge [sflag:s15], $0x80  }
0xa9: {  	[sflag:s15] =	ssyncset.done $0x0  }
0xaa: {  	[sflag:s15] =	ssyncadd.s32 $0xFFFFFF80  }
0xab: {  	v2 =	vld [tilespmem:$0x10600];
	_ =	sdelay $0x1  }
0xac: {  	v3 =	vld [tilespmem:$0x10610];
	_ =	sdelay $0x1  }
0xad: {  	v4 =	vld [tilespmem:$0x10620]  }
0xae: {  	vm0 =	vgt.s32 v2, $0x79FFF;
	v5 =	vadd.s32 $0xFFF86000, v2  }
0xaf: {  	v43 =	vld [tilespmem:$0x10630];
	v2 =	vsel vm0, v5, v2  }
0xb0: {  	vm13 =	vgt.s32 v3, $0x79FFF;
	v6 =	vadd.s32 $0xFFF86000, v3;
	[tilespmem:$0x10400] =	vst v2;
	v2 =	vsel vm0, $0x40, v0  }
0xb1: {  	[tilespmem:$0x0] =	vst v2;
	v2 =	vsel vm13, v6, v3;
	v3 =	vld [tilespmem:$0x10640]  }
0xb2: {  	vm14 =	vgt.s32 v4, $0x79FFF;
	v44 =	vadd.s32 $0xFFF86000, v4;
	[tilespmem:$0x10410] =	vst v2;
	v2 =	vsel vm13, $0x40, v0  }
0xb3: {  	v45 =	vld [tilespmem:$0x10650];
	[tilespmem:$0x10] =	vst v2;
	v2 =	vsel vm14, v44, v4  }
0xb4: {  	vm15 =	vgt.s32 v43, $0x79FFF;
	v46 =	vadd.s32 $0xFFF86000, v43;
	[tilespmem:$0x10420] =	vst v2;
	v2 =	vsel vm14, $0x40, v0  }
0xb5: {  	v47 =	vld [tilespmem:$0x10660];
	[tilespmem:$0x20] =	vst v2;
	v2 =	vsel vm15, v46, v43  }
0xb6: {  	[tilespmem:$0x10430] =	vst v2;
	v2 =	vsel vm15, $0x40, v0;
	vm4 =	vgt.s32 v3, $0x79FFF;
	v48 =	vadd.s32 $0xFFF86000, v3  }
0xb7: {  	[tilespmem:$0x30] =	vst v2;
	v2 =	vsel vm4, v48, v3;
	v3 =	vld [tilespmem:$0x10670]  }
0xb8: {  	vm5 =	vgt.s32 v45, $0x79FFF;
	v49 =	vadd.s32 $0xFFF86000, v45;
	[tilespmem:$0x10440] =	vst v2;
	v2 =	vsel vm4, $0x40, v0  }
0xb9: {  	v50 =	vld [tilespmem:$0x10700];
	[tilespmem:$0x40] =	vst v2;
	v2 =	vsel vm5, v49, v45  }
0xba: {  	vm6 =	vgt.s32 v47, $0x79FFF;
	v51 =	vadd.s32 $0xFFF86000, v47;
	[tilespmem:$0x10450] =	vst v2;
	v2 =	vsel vm5, $0x40, v0  }
0xbb: {  	v52 =	vld [tilespmem:$0x10710];
	[tilespmem:$0x50] =	vst v2;
	v2 =	vsel vm6, v51, v47  }
0xbc: {  	[tilespmem:$0x10460] =	vst v2;
	v2 =	vsel vm6, $0x40, v0;
	vm7 =	vgt.s32 v3, $0x79FFF;
	v53 =	vadd.s32 $0xFFF86000, v3  }
0xbd: {  	[tilespmem:$0x60] =	vst v2;
	v2 =	vsel vm7, v53, v3;
	v3 =	vld [tilespmem:$0x10720]  }
0xbe: {  	vm8 =	vgt.s32 v50, $0x79FFF;
	v54 =	vadd.s32 $0xFFF86000, v50;
	[tilespmem:$0x10470] =	vst v2;
	v2 =	vsel vm7, $0x40, v0  }
0xbf: {  	v55 =	vld [tilespmem:$0x10730];
	[tilespmem:$0x70] =	vst v2;
	v2 =	vsel vm8, v54, v50  }
0xc0: {  	vm9 =	vgt.s32 v52, $0x79FFF;
	v56 =	vadd.s32 $0xFFF86000, v52;
	[tilespmem:$0x10500] =	vst v2;
	v2 =	vsel vm8, $0x40, v0  }
0xc1: {  	v57 =	vld [tilespmem:$0x10740];
	[tilespmem:$0x100] =	vst v2;
	v2 =	vsel vm9, v56, v52  }
0xc2: {  	[tilespmem:$0x10510] =	vst v2;
	v2 =	vsel vm9, $0x40, v0;
	vm10 =	vgt.s32 v3, $0x79FFF;
	v58 =	vadd.s32 $0xFFF86000, v3  }
0xc3: {  	[tilespmem:$0x110] =	vst v2;
	v2 =	vsel vm10, v58, v3;
	v3 =	vld [tilespmem:$0x10750]  }
0xc4: {  	vm11 =	vgt.s32 v55, $0x79FFF;
	v59 =	vadd.s32 $0xFFF86000, v55;
	[tilespmem:$0x10520] =	vst v2;
	v2 =	vsel vm10, $0x40, v0  }
0xc5: {  	v60 =	vld [tilespmem:$0x10760];
	[tilespmem:$0x120] =	vst v2;
	v2 =	vsel vm11, v59, v55  }
0xc6: {  	vm12 =	vgt.s32 v57, $0x79FFF;
	v61 =	vadd.s32 $0xFFF86000, v57;
	[tilespmem:$0x10530] =	vst v2;
	v2 =	vsel vm11, $0x40, v0  }
0xc7: {  	v62 =	vld [tilespmem:$0x10770];
	[tilespmem:$0x130] =	vst v2;
	v2 =	vsel vm12, v61, v57  }
0xc8: {  	[tilespmem:$0x10540] =	vst v2;
	v2 =	vsel vm12, $0x40, v0;
	vm13 =	vgt.s32 v3, $0x79FFF;
	v63 =	vadd.s32 $0xFFF86000, v3  }
0xc9: {  	[tilespmem:$0x140] =	vst v2;
	v2 =	vsel vm13, v63, v3  }
0xca: {  	vm14 =	vgt.s32 v60, $0x79FFF;
	v3 =	vadd.s32 $0xFFF86000, v60;
	[tilespmem:$0x10550] =	vst v2;
	v2 =	vsel vm13, $0x40, v0  }
0xcb: {  	[tilespmem:$0x150] =	vst v2;
	v2 =	vsel vm14, v3, v60  }
0xcc: {  	vm15 =	vgt.s32 v62, $0x79FFF;
	v3 =	vadd.s32 $0xFFF86000, v62;
	[tilespmem:$0x10560] =	vst v2;
	v2 =	vsel vm14, $0x40, v0  }
0xcd: {  	[tilespmem:$0x160] =	vst v2;
	v2 =	vsel vm15, v3, v62  }
0xce: {  	[tilespmem:$0x10570] =	vst v2;
	v2 =	vsel vm15, $0x40, v0  }
0xcf: {  	[tilespmem:$0x170] =	vst v2  }
0xd0: {  	[tilespmem:s19], [sflag:$0x1] =	stream.indirect.gather [hbm4b:s3+s17], $0x80, s18, s17, $0xb8;
	[tilespmem:$0x10800] =	vst v63  }
0xd1: {  	_ = 	snop  }
0xd2: {  	[tilespmem:s21], [sflag:$0x1] =	stream.indirect.gather [hbm4b:s3+s17], $0x80, s20, s17, $0xb8;
	[tilespmem:$0x10800] =	vst v63  }
0xd3: {  	_ =	swait.ge [sflag:s30], $0x4000  }
0xd4: {  	[sflag:s30] =	ssyncset.done $0x0  }
0xd5: {  	[sflag:s30] =	ssyncadd.s32 $0xFFFFC000  }
0xd6: {  	_ =	swait.ge [sflag:s30], $0x4000  }
0xd7: {  	[sflag:s30] =	ssyncset.done $0x0  }
0xd8: {  	s31 =	simm.s32 $0x0;
	[sflag:s30] =	ssyncadd.s32 $0xFFFFC000  }
.LBB2_6:
0xd9: {  	s14 =	sshll.u32 s31, $0x4  }
0xda: {  	v2 =	vld [tilespmem:s14+$0x80]  }
0xdb: {  	v3 =	vld [tilespmem:s14+$0x180];
	_ =	sdelay $0x2  }
0xdc: {  	v4 =	vmov s14  }
0xdd: {  	v4 =	vshll.u32 v4, $0x7;
	v5 =	vadd.s32 s1, v2  }
0xde: {  	v4 =	vor.u32 v1, v4;
	v7 =	vadd.s32 s1, v3;
	v6 =	vand.u32 $0xFFFFFF80, v5  }
0xdf: {  	v5 =	vand.u32 $0x7F, v5;
	v8 =	vand.u32 $0xFFFFFF80, v7;
	v6 =	vadd.s32 v4, v6  }
0xe0: {  	v7 =	vand.u32 $0x7F, v7;
	v5 =	vor.u32 v5, v6;
	v6 =	vadd.s32 v4, v8  }
0xe1: {  	s4 =	simm.s32 $0x1;
	v7 =	vor.u32 v7, v6  }
0xe2: {  	v6 =	vadd.s32 s4, v2  }
0xe3: {  	v8 =	vadd.s32 s4, v3;
	v9 =	vand.u32 $0xFFFFFF80, v6  }
0xe4: {  	v10 =	vand.u32 $0x7F, v6;
	v6 =	vand.u32 $0xFFFFFF80, v8;
	v9 =	vadd.s32 v4, v9  }
0xe5: {  	v11 =	vand.u32 $0x7F, v8;
	v12 =	vadd.s32 v4, v6;
	v8 =	vor.u32 v10, v9;
	v5 =	vld.idx.msk [tilespmem:v5+s25+$0x0], $0xffff  }
0xe6: {  	v9 =	vor.u32 v11, v12;
	v7 =	vld.idx.msk [tilespmem:v7+s28+$0x0], $0xffff  }
0xe7: {  	s4 =	simm.s32 $0x2;
	v6 =	vimm.f32 $0.0e+00  }
.LBB2_7:
0xe8: {  	v10 =	vadd.s32 s4, v2;
	p0 =	sne.s32 s4, $0x3F  }
.Ltmp2:
0xe9: {  	v12 =	vadd.s32 s4, v3;
	s4 =	sadd.s32 $0x1, s4;
	v11 =	vand.u32 $0xFFFFFF80, v10;
	v10 =	vand.u32 $0x7F, v10;
	(pc) =	sbr.rel @p0 .LBB2_7-.Ltmp2, $4  }
0xea: {  	v13 =	vand.u32 $0xFFFFFF80, v12;
	v12 =	vand.u32 $0x7F, v12;
	v14 =	vmovc v5;
	v11 =	vadd.s32 v4, v11;
	v5 =	vld.idx.msk [tilespmem:v8+s25+$0x0], $0xffff  }
0xeb: {  	v8 =	vor.u32 v10, v11;
	v10 =	vadd.s32 v4, v13;
	v11 =	vmul.f32 v7, v14;
	v7 =	vld.idx.msk [tilespmem:v9+s28+$0x0], $0xffff  }
0xec: {  	v9 =	vor.u32 v12, v10  }
0xed: {  	v6 =	vadd.f32 v11, v6  }
0xee: {  	_ =	sdelay $0x3  }
0xef: {  	v2 =	vld.idx.msk [tilespmem:v8+s25+$0x0], $0xffff  }
0xf0: {  	v3 =	vld.idx.msk [tilespmem:v9+s28+$0x0], $0xffff;
	_ =	sdelay $0x2  }
0xf1: {  	v4 =	vmul.f32 v7, v5;
	_ =	sdelay $0x1  }
0xf2: {  	v4 =	vadd.f32 v4, v6;
	v2 =	vmul.f32 v3, v2;
	_ =	sdelay $0x1  }
0xf3: {  	v2 =	vadd.f32 v2, v4;
	_ =	sdelay $0x1  }
0xf4: {  	v2 =	vsub.f32 $0.0e+00, v2;
	_ =	sdelay $0x1  }
0xf5: {  	v2 =	vmul.f32 $1.442695020e+00, v2;
	_ =	sdelay $0x1  }
0xf6: {  	(erf) = vpow2.f32 v2;
	_ =	sdelay $0x8  }
0xf7: {  	v2 =	vpop (erf)  }
0xf8: {  	v3 =	vadd.f32 $1.000000000e+00, v2;
	_ =	sdelay $0x1  }
0xf9: {  	(erf) = vrcp.f32 v3;
	_ =	sdelay $0x5  }
0xfa: {  	s31 =	sadd.s32 $0x1, s31  }
0xfb: {  	p0 =	sne.s32 s31, $0x8  }
.Ltmp3:
0xfc: {  	_ = 	snop;
	(pc) =	sbr.rel @p0 .LBB2_6-.Ltmp3, $3  }
0xfd: {  	v3 =	vpop (erf)  }
0xfe: {  	v2 =	vmul.f32 v3, v2;
	_ =	sdelay $0x1  }
0xff: {  	[tilespmem:s14+$0x10280] =	vst v2  }
0x100: {  	s1 =	simm.s32 $0x0  }
0x101: {  	[tilespmem:s22], [sflag:$0x3] =	stream.linear.gather [hbm4b:s10+s1], $0x80, $0x38;
	[tilespmem:$0x10800] =	vst v63  }
0x102: {  	_ =	swait.ge [sflag:s15], $0x80  }
0x103: {  	[sflag:s15] =	ssyncset.done $0x0  }
0x104: {  	[sflag:s15] =	ssyncadd.s32 $0xFFFFFF80  }
0x105: {  	[tilespmem:s23], [sflag:$0x3] =	stream.linear.gather [hbm4b:s11+s1], $0x80, $0x38;
	[tilespmem:$0x10800] =	vst v63  }
0x106: {  	_ =	swait.ge [sflag:s15], $0x80  }
0x107: {  	[sflag:s15] =	ssyncset.done $0x0  }
0x108: {  	[sflag:s15] =	ssyncadd.s32 $0xFFFFFF80  }
0x109: {  	v2 =	vld [tilespmem:$0x10680];
	_ =	sdelay $0x1  }
0x10a: {  	v3 =	vld [tilespmem:$0x10690];
	_ =	sdelay $0x1  }
0x10b: {  	v4 =	vld [tilespmem:$0x106A0]  }
0x10c: {  	vm0 =	vgt.s32 v2, $0x79FFF;
	v5 =	vadd.s32 $0xFFF86000, v2  }
0x10d: {  	v43 =	vld [tilespmem:$0x106B0];
	v2 =	vsel vm0, v5, v2  }
0x10e: {  	vm13 =	vgt.s32 v3, $0x79FFF;
	v6 =	vadd.s32 $0xFFF86000, v3;
	[tilespmem:$0x10480] =	vst v2;
	v2 =	vsel vm0, $0x40, v0  }
0x10f: {  	[tilespmem:$0x80] =	vst v2;
	v2 =	vsel vm13, v6, v3;
	v3 =	vld [tilespmem:$0x106C0]  }
0x110: {  	vm14 =	vgt.s32 v4, $0x79FFF;
	v44 =	vadd.s32 $0xFFF86000, v4;
	[tilespmem:$0x10490] =	vst v2;
	v2 =	vsel vm13, $0x40, v0  }
0x111: {  	v45 =	vld [tilespmem:$0x106D0];
	[tilespmem:$0x90] =	vst v2;
	v2 =	vsel vm14, v44, v4  }
0x112: {  	vm15 =	vgt.s32 v43, $0x79FFF;
	v46 =	vadd.s32 $0xFFF86000, v43;
	[tilespmem:$0x104A0] =	vst v2;
	v2 =	vsel vm14, $0x40, v0  }
0x113: {  	v47 =	vld [tilespmem:$0x106E0];
	[tilespmem:$0xA0] =	vst v2;
	v2 =	vsel vm15, v46, v43  }
0x114: {  	[tilespmem:$0x104B0] =	vst v2;
	v2 =	vsel vm15, $0x40, v0;
	vm4 =	vgt.s32 v3, $0x79FFF;
	v48 =	vadd.s32 $0xFFF86000, v3  }
0x115: {  	[tilespmem:$0xB0] =	vst v2;
	v2 =	vsel vm4, v48, v3;
	v3 =	vld [tilespmem:$0x106F0]  }
0x116: {  	vm5 =	vgt.s32 v45, $0x79FFF;
	v49 =	vadd.s32 $0xFFF86000, v45;
	[tilespmem:$0x104C0] =	vst v2;
	v2 =	vsel vm4, $0x40, v0  }
0x117: {  	v50 =	vld [tilespmem:$0x10780];
	[tilespmem:$0xC0] =	vst v2;
	v2 =	vsel vm5, v49, v45  }
0x118: {  	vm6 =	vgt.s32 v47, $0x79FFF;
	v51 =	vadd.s32 $0xFFF86000, v47;
	[tilespmem:$0x104D0] =	vst v2;
	v2 =	vsel vm5, $0x40, v0  }
0x119: {  	v52 =	vld [tilespmem:$0x10790];
	[tilespmem:$0xD0] =	vst v2;
	v2 =	vsel vm6, v51, v47  }
0x11a: {  	[tilespmem:$0x104E0] =	vst v2;
	v2 =	vsel vm6, $0x40, v0;
	vm7 =	vgt.s32 v3, $0x79FFF;
	v53 =	vadd.s32 $0xFFF86000, v3  }
0x11b: {  	[tilespmem:$0xE0] =	vst v2;
	v2 =	vsel vm7, v53, v3;
	v3 =	vld [tilespmem:$0x107A0]  }
0x11c: {  	vm8 =	vgt.s32 v50, $0x79FFF;
	v54 =	vadd.s32 $0xFFF86000, v50;
	[tilespmem:$0x104F0] =	vst v2;
	v2 =	vsel vm7, $0x40, v0  }
0x11d: {  	v55 =	vld [tilespmem:$0x107B0];
	[tilespmem:$0xF0] =	vst v2;
	v2 =	vsel vm8, v54, v50  }
0x11e: {  	vm9 =	vgt.s32 v52, $0x79FFF;
	v56 =	vadd.s32 $0xFFF86000, v52;
	[tilespmem:$0x10580] =	vst v2;
	v2 =	vsel vm8, $0x40, v0  }
0x11f: {  	v57 =	vld [tilespmem:$0x107C0];
	[tilespmem:$0x180] =	vst v2;
	v2 =	vsel vm9, v56, v52  }
0x120: {  	[tilespmem:$0x10590] =	vst v2;
	v2 =	vsel vm9, $0x40, v0;
	vm10 =	vgt.s32 v3, $0x79FFF;
	v58 =	vadd.s32 $0xFFF86000, v3  }
0x121: {  	[tilespmem:$0x190] =	vst v2;
	v2 =	vsel vm10, v58, v3;
	v3 =	vld [tilespmem:$0x107D0]  }
0x122: {  	vm11 =	vgt.s32 v55, $0x79FFF;
	v59 =	vadd.s32 $0xFFF86000, v55;
	[tilespmem:$0x105A0] =	vst v2;
	v2 =	vsel vm10, $0x40, v0  }
0x123: {  	v60 =	vld [tilespmem:$0x107E0];
	[tilespmem:$0x1A0] =	vst v2;
	v2 =	vsel vm11, v59, v55  }
0x124: {  	vm12 =	vgt.s32 v57, $0x79FFF;
	v61 =	vadd.s32 $0xFFF86000, v57;
	[tilespmem:$0x105B0] =	vst v2;
	v2 =	vsel vm11, $0x40, v0  }
0x125: {  	v62 =	vld [tilespmem:$0x107F0];
	[tilespmem:$0x1B0] =	vst v2;
	v2 =	vsel vm12, v61, v57  }
0x126: {  	[tilespmem:$0x105C0] =	vst v2;
	v2 =	vsel vm12, $0x40, v0;
	vm13 =	vgt.s32 v3, $0x79FFF;
	v63 =	vadd.s32 $0xFFF86000, v3  }
0x127: {  	[tilespmem:$0x1C0] =	vst v2;
	v2 =	vsel vm13, v63, v3  }
0x128: {  	vm14 =	vgt.s32 v60, $0x79FFF;
	v3 =	vadd.s32 $0xFFF86000, v60;
	[tilespmem:$0x105D0] =	vst v2;
	v2 =	vsel vm13, $0x40, v0  }
0x129: {  	[tilespmem:$0x1D0] =	vst v2;
	v2 =	vsel vm14, v3, v60  }
0x12a: {  	vm15 =	vgt.s32 v62, $0x79FFF;
	v3 =	vadd.s32 $0xFFF86000, v62;
	[tilespmem:$0x105E0] =	vst v2;
	v2 =	vsel vm14, $0x40, v0  }
0x12b: {  	[tilespmem:$0x1E0] =	vst v2;
	v2 =	vsel vm15, v3, v62  }
0x12c: {  	[tilespmem:$0x105F0] =	vst v2;
	v2 =	vsel vm15, $0x40, v0  }
0x12d: {  	[tilespmem:$0x1F0] =	vst v2  }
0x12e: {  	[tilespmem:s25], [sflag:$0x2] =	stream.indirect.gather [hbm4b:s3+s17], $0x80, s24, s17, $0xb8;
	[tilespmem:$0x10800] =	vst v63  }
0x12f: {  	_ = 	snop  }
0x130: {  	[tilespmem:s28], [sflag:$0x2] =	stream.indirect.gather [hbm4b:s3+s17], $0x80, s26, s17, $0xb8;
	[tilespmem:$0x10800] =	vst v63  }
0x131: {  	_ =	swait.ge [sflag:s29], $0x4000  }
0x132: {  	[sflag:s29] =	ssyncset.done $0x0  }
0x133: {  	[sflag:s29] =	ssyncadd.s32 $0xFFFFC000  }
0x134: {  	_ =	swait.ge [sflag:s29], $0x4000  }
0x135: {  	[sflag:s29] =	ssyncset.done $0x0  }
0x136: {  	s31 =	simm.s32 $0x0;
	[sflag:s29] =	ssyncadd.s32 $0xFFFFC000  }
.LBB2_10:
0x137: {  	s14 =	sshll.u32 s31, $0x4  }
0x138: {  	v2 =	vld [tilespmem:s14+$0x0]  }
0x139: {  	v3 =	vld [tilespmem:s14+$0x100];
	_ =	sdelay $0x2  }
0x13a: {  	v4 =	vmov s14  }
0x13b: {  	v4 =	vshll.u32 v4, $0x7;
	v5 =	vadd.s32 s1, v2  }
0x13c: {  	v4 =	vor.u32 v1, v4;
	v7 =	vadd.s32 s1, v3;
	v6 =	vand.u32 $0xFFFFFF80, v5  }
0x13d: {  	v5 =	vand.u32 $0x7F, v5;
	v8 =	vand.u32 $0xFFFFFF80, v7;
	v6 =	vadd.s32 v4, v6  }
0x13e: {  	v7 =	vand.u32 $0x7F, v7;
	v5 =	vor.u32 v5, v6;
	v6 =	vadd.s32 v4, v8  }
0x13f: {  	s4 =	simm.s32 $0x1;
	v7 =	vor.u32 v7, v6  }
0x140: {  	v6 =	vadd.s32 s4, v2  }
0x141: {  	v8 =	vadd.s32 s4, v3;
	v9 =	vand.u32 $0xFFFFFF80, v6  }
0x142: {  	v10 =	vand.u32 $0x7F, v6;
	v6 =	vand.u32 $0xFFFFFF80, v8;
	v9 =	vadd.s32 v4, v9  }
0x143: {  	v11 =	vand.u32 $0x7F, v8;
	v12 =	vadd.s32 v4, v6;
	v8 =	vor.u32 v10, v9;
	v5 =	vld.idx.msk [tilespmem:v5+s19+$0x0], $0xffff  }
0x144: {  	v9 =	vor.u32 v11, v12;
	v7 =	vld.idx.msk [tilespmem:v7+s21+$0x0], $0xffff  }
0x145: {  	s4 =	simm.s32 $0x2;
	v6 =	vimm.f32 $0.0e+00  }
.LBB2_11:
0x146: {  	v10 =	vadd.s32 s4, v2;
	p0 =	sne.s32 s4, $0x3F  }
.Ltmp4:
0x147: {  	v12 =	vadd.s32 s4, v3;
	s4 =	sadd.s32 $0x1, s4;
	v11 =	vand.u32 $0xFFFFFF80, v10;
	v10 =	vand.u32 $0x7F, v10;
	(pc) =	sbr.rel @p0 .LBB2_11-.Ltmp4, $4  }
0x148: {  	v13 =	vand.u32 $0xFFFFFF80, v12;
	v12 =	vand.u32 $0x7F, v12;
	v14 =	vmovc v5;
	v11 =	vadd.s32 v4, v11;
	v5 =	vld.idx.msk [tilespmem:v8+s19+$0x0], $0xffff  }
0x149: {  	v8 =	vor.u32 v10, v11;
	v10 =	vadd.s32 v4, v13;
	v11 =	vmul.f32 v7, v14;
	v7 =	vld.idx.msk [tilespmem:v9+s21+$0x0], $0xffff  }
0x14a: {  	v9 =	vor.u32 v12, v10  }
0x14b: {  	v6 =	vadd.f32 v11, v6  }
0x14c: {  	_ =	sdelay $0x3  }
0x14d: {  	v2 =	vld.idx.msk [tilespmem:v8+s19+$0x0], $0xffff  }
0x14e: {  	v3 =	vld.idx.msk [tilespmem:v9+s21+$0x0], $0xffff;
	_ =	sdelay $0x2  }
0x14f: {  	v4 =	vmul.f32 v7, v5;
	_ =	sdelay $0x1  }
0x150: {  	v4 =	vadd.f32 v4, v6;
	v2 =	vmul.f32 v3, v2;
	_ =	sdelay $0x1  }
0x151: {  	v2 =	vadd.f32 v2, v4;
	_ =	sdelay $0x1  }
0x152: {  	v2 =	vsub.f32 $0.0e+00, v2;
	_ =	sdelay $0x1  }
0x153: {  	v2 =	vmul.f32 $1.442695020e+00, v2;
	_ =	sdelay $0x1  }
0x154: {  	(erf) = vpow2.f32 v2;
	_ =	sdelay $0x8  }
0x155: {  	v2 =	vpop (erf)  }
0x156: {  	v3 =	vadd.f32 $1.000000000e+00, v2;
	_ =	sdelay $0x1  }
0x157: {  	(erf) = vrcp.f32 v3;
	_ =	sdelay $0x5  }
0x158: {  	s31 =	sadd.s32 $0x1, s31  }
0x159: {  	p0 =	sne.s32 s31, $0x8  }
.Ltmp5:
0x15a: {  	_ = 	snop;
	(pc) =	sbr.rel @p0 .LBB2_10-.Ltmp5, $3  }
0x15b: {  	v3 =	vpop (erf)  }
0x15c: {  	v2 =	vmul.f32 v3, v2;
	_ =	sdelay $0x1  }
0x15d: {  	[tilespmem:s14+$0x10300] =	vst v2  }
0x15e: {  	_ =	swait.ge [sflag:s30], $0x4000  }
0x15f: {  	[sflag:s30] =	ssyncset.done $0x0  }
0x160: {  	[sflag:s30] =	ssyncadd.s32 $0xFFFFC000  }
0x161: {  	_ =	swait.ge [sflag:s30], $0x4000  }
0x162: {  	[sflag:s30] =	ssyncset.done $0x0  }
0x163: {  	s1 =	simm.s32 $0x0;
	s31 =	simm.s32 $0x0;
	[sflag:s30] =	ssyncadd.s32 $0xFFFFC000  }
.LBB2_14:
0x164: {  	s14 =	sshll.u32 s31, $0x4  }
0x165: {  	v2 =	vld [tilespmem:s14+$0x80]  }
0x166: {  	v3 =	vld [tilespmem:s14+$0x180];
	_ =	sdelay $0x2  }
0x167: {  	v4 =	vmov s14  }
0x168: {  	v4 =	vshll.u32 v4, $0x7;
	v5 =	vadd.s32 s1, v2  }
0x169: {  	v4 =	vor.u32 v1, v4;
	v7 =	vadd.s32 s1, v3;
	v6 =	vand.u32 $0xFFFFFF80, v5  }
0x16a: {  	v5 =	vand.u32 $0x7F, v5;
	v8 =	vand.u32 $0xFFFFFF80, v7;
	v6 =	vadd.s32 v4, v6  }
0x16b: {  	v7 =	vand.u32 $0x7F, v7;
	v5 =	vor.u32 v5, v6;
	v6 =	vadd.s32 v4, v8  }
0x16c: {  	s4 =	simm.s32 $0x1;
	v7 =	vor.u32 v7, v6  }
0x16d: {  	v6 =	vadd.s32 s4, v2  }
0x16e: {  	v8 =	vadd.s32 s4, v3;
	v9 =	vand.u32 $0xFFFFFF80, v6  }
0x16f: {  	v10 =	vand.u32 $0x7F, v6;
	v6 =	vand.u32 $0xFFFFFF80, v8;
	v9 =	vadd.s32 v4, v9  }
0x170: {  	v11 =	vand.u32 $0x7F, v8;
	v12 =	vadd.s32 v4, v6;
	v8 =	vor.u32 v10, v9;
	v5 =	vld.idx.msk [tilespmem:v5+s25+$0x0], $0xffff  }
0x171: {  	v9 =	vor.u32 v11, v12;
	v7 =	vld.idx.msk [tilespmem:v7+s28+$0x0], $0xffff  }
0x172: {  	s4 =	simm.s32 $0x2;
	v6 =	vimm.f32 $0.0e+00  }
.LBB2_15:
0x173: {  	v10 =	vadd.s32 s4, v2;
	p0 =	sne.s32 s4, $0x3F  }
.Ltmp6:
0x174: {  	v12 =	vadd.s32 s4, v3;
	s4 =	sadd.s32 $0x1, s4;
	v11 =	vand.u32 $0xFFFFFF80, v10;
	v10 =	vand.u32 $0x7F, v10;
	(pc) =	sbr.rel @p0 .LBB2_15-.Ltmp6, $4  }
0x175: {  	v13 =	vand.u32 $0xFFFFFF80, v12;
	v12 =	vand.u32 $0x7F, v12;
	v14 =	vmovc v5;
	v11 =	vadd.s32 v4, v11;
	v5 =	vld.idx.msk [tilespmem:v8+s25+$0x0], $0xffff  }
0x176: {  	v8 =	vor.u32 v10, v11;
	v10 =	vadd.s32 v4, v13;
	v11 =	vmul.f32 v7, v14;
	v7 =	vld.idx.msk [tilespmem:v9+s28+$0x0], $0xffff  }
0x177: {  	v9 =	vor.u32 v12, v10  }
0x178: {  	v6 =	vadd.f32 v11, v6  }
0x179: {  	_ =	sdelay $0x3  }
0x17a: {  	v2 =	vld.idx.msk [tilespmem:v8+s25+$0x0], $0xffff  }
0x17b: {  	v3 =	vld.idx.msk [tilespmem:v9+s28+$0x0], $0xffff;
	_ =	sdelay $0x2  }
0x17c: {  	v4 =	vmul.f32 v7, v5;
	_ =	sdelay $0x1  }
0x17d: {  	v4 =	vadd.f32 v4, v6;
	v2 =	vmul.f32 v3, v2;
	_ =	sdelay $0x1  }
0x17e: {  	v2 =	vadd.f32 v2, v4;
	_ =	sdelay $0x1  }
0x17f: {  	v2 =	vsub.f32 $0.0e+00, v2;
	_ =	sdelay $0x1  }
0x180: {  	v2 =	vmul.f32 $1.442695020e+00, v2;
	_ =	sdelay $0x1  }
0x181: {  	(erf) = vpow2.f32 v2;
	_ =	sdelay $0x8  }
0x182: {  	v2 =	vpop (erf)  }
0x183: {  	v3 =	vadd.f32 $1.000000000e+00, v2;
	_ =	sdelay $0x1  }
0x184: {  	(erf) = vrcp.f32 v3;
	_ =	sdelay $0x5  }
0x185: {  	s31 =	sadd.s32 $0x1, s31  }
0x186: {  	p0 =	sne.s32 s31, $0x8  }
.Ltmp7:
0x187: {  	_ = 	snop;
	(pc) =	sbr.rel @p0 .LBB2_14-.Ltmp7, $3  }
0x188: {  	v3 =	vpop (erf)  }
0x189: {  	v2 =	vmul.f32 v3, v2;
	_ =	sdelay $0x1  }
0x18a: {  	[tilespmem:s14+$0x10380] =	vst v2  }
0x18b: {  	s0 =	sadd.s32 $0x1, s0  }
0x18c: {  	p0 =	sne.s32 s0, s13  }
.Ltmp8:
0x18d: {  	s1 =	simm.s32 $0x10200;
	(pc) =	sbr.rel @p0 .LBB2_1-.Ltmp8, $4  }
0x18e: {  	[hbm4b:s12+s2] =	stream.linear.scatter [tilespmem:s1], [sflag:$0x3], $0x200, $0x38;
	[tilespmem:$0x10800] =	vst v63  }
0x18f: {  	_ =	swait.ge [sflag:s15], $0x200  }
0x190: {  	[sflag:s15] =	ssyncset.done $0x0  }
0x191: {  	[sflag:s15] =	ssyncadd.s32 $0xFFFFFE00  }
0x192: {  	_ =	sfence.sel $0x180000  }
0x193: {  	[bflag:$0x0] =	sbarrier.arrive $0xFFFF  }
0x194: {  	_ =	strace $0x90000047  }
0x195: {  	s0 =	stileid.u32;
	[bflag:$0x2] =	sbarrier.arrive $0xFFFF  }
0x196: {  	p0 =	sne.s32 s0, $0x0;
	s0 =	rddreg [dreg:$0x4]  }
0x197: {  	s0 =	sadd.s32 @!p0 $0x100000, s0  }
0x198: {  	[sflag:s0] =	ssyncadd.tile.s32 @!p0 $0x1;
	_ =	shalt  }
.Lfunc_end2:
_tile_overlayer_lowered:
.L_overlay_start_2:
0x199: {  	(tag) =	ssettag $0x2  }
0x19a: {  	s0 =	rddreg [dreg:$0x0];
	s2 =	stileid.u32  }
0x19b: {  	s1 =	rddreg [dreg:$0x1];
	p0 =	sne.s32 s2, $0x0  }
0x19c: {  	s3 =	rddreg [dreg:$0x2];
	[bflag:$0x3] =	sbarrier.arrive $0xFFFF;
	s2 =	simm.s32 @!p0 $0x1C03  }
0x19d: {  	[timem:s3], [sflag:s2] =	dma.local @!p0 [hbm:s0], s1  }
0x19e: {  	s0 =	simm.s32 @!p0 $0x3  }
0x19f: {  	_ =	swait.ge @!p0 [sflag:s0], s1  }
0x1a0: {  	s1 =	ssub.s32 @!p0 $0x0, s1;
	[sflag:s0] =	ssyncset.done @!p0 $0x0  }
0x1a1: {  	[sflag:s0] =	ssyncadd.s32 @!p0 s1  }
0x1a2: {  	[bflag:$0x3] =	sbarrier.arrive $0xFFFF  }
0x1a3: {  	_ =	shalt  }

</sc_bundles>
